<compile_context>
chip_gen: v7x
topology: tpu7x:2x2x1
jax: 0.10.2.dev20260603
libtpu: 0.0.44.dev20260713+nightly
codegen_flags: <defaults>
</compile_context>

<pallas_src>
import functools

import jax
import jax.numpy as jnp
from jax import lax
from jax.experimental import pallas as pl
from jax.experimental.pallas import tpu as pltpu
from jax.experimental.pallas import tpu_sc as plsc

S = 2048
D = 1024
E = 64
FFW = 512
TOPK = 8
N_GROUP = 8
GROUP_SIZE = E // N_GROUP
TOPK_GROUP = 4
SCALE = 2.5

TS = 256
M = 256
P = S * TOPK + E * M
NT = P // M



def _router_body(x_ref, rw_ref, rb_ref, wsg_ref, wsu_ref, wsd_ref,
                 idx_ref, w_ref, shared_ref):
    xb = x_ref[...]
    logits = jnp.dot(xb, rw_ref[...], preferred_element_type=jnp.float32)
    scores = jax.nn.sigmoid(logits)
    swb = scores + rb_ref[...]

    iota8 = lax.broadcasted_iota(jnp.int32, (TS, N_GROUP), 1)
    neg = jnp.float32(-jnp.inf)

    gs_parts = []
    for g in range(N_GROUP):
        sg = swb[:, g * GROUP_SIZE:(g + 1) * GROUP_SIZE]
        m1 = jnp.max(sg, axis=-1, keepdims=True)
        i1 = jnp.min(jnp.where(sg == m1, iota8, N_GROUP), axis=-1, keepdims=True)
        m2 = jnp.max(jnp.where(iota8 == i1, neg, sg), axis=-1, keepdims=True)
        gs_parts.append(m1 + m2)
    gs = jnp.concatenate(gs_parts, axis=-1)

    sel = jnp.zeros((TS, N_GROUP), jnp.bool_)
    gw = gs
    for _ in range(TOPK_GROUP):
        gm = jnp.max(gw, axis=-1, keepdims=True)
        gi = jnp.min(jnp.where(gw == gm, iota8, N_GROUP), axis=-1, keepdims=True)
        sel = sel | (iota8 == gi)
        gw = jnp.where(iota8 == gi, neg, gw)

    ms = jnp.concatenate(
        [jnp.where(sel[:, g:g + 1], swb[:, g * GROUP_SIZE:(g + 1) * GROUP_SIZE], 0.0)
         for g in range(N_GROUP)], axis=-1)

    iota64 = lax.broadcasted_iota(jnp.int32, (TS, E), 1)
    idx_parts, w_parts = [], []
    mw = ms
    for _ in range(TOPK):
        m = jnp.max(mw, axis=-1, keepdims=True)
        ii = jnp.min(jnp.where(mw == m, iota64, E), axis=-1, keepdims=True)
        idx_parts.append(ii)
        w_parts.append(jnp.sum(jnp.where(iota64 == ii, scores, 0.0),
                               axis=-1, keepdims=True))
        mw = jnp.where(iota64 == ii, jnp.float32(-1.0), mw)

    idx = jnp.concatenate(idx_parts, axis=-1)
    w = jnp.concatenate(w_parts, axis=-1)
    w = SCALE * w / (jnp.sum(w, axis=-1, keepdims=True) + 1e-20)
    idx_ref[...] = idx
    w_ref[...] = w

    g_ = jnp.dot(xb, wsg_ref[...], preferred_element_type=jnp.float32)
    u_ = jnp.dot(xb, wsu_ref[...], preferred_element_type=jnp.float32)
    h_ = g_ * jax.nn.sigmoid(g_) * u_
    shared_ref[...] = jnp.dot(h_, wsd_ref[...], preferred_element_type=jnp.float32)


def _router_shared(xf, router_w, router_bias, ws_gate, ws_up, ws_down):
    grid = (S // TS,)
    return pl.pallas_call(
        _router_body,
        grid=grid,
        in_specs=[
            pl.BlockSpec((TS, D), lambda i: (i, 0)),
            pl.BlockSpec((D, E), lambda i: (0, 0)),
            pl.BlockSpec((1, E), lambda i: (0, 0)),
            pl.BlockSpec((D, FFW), lambda i: (0, 0)),
            pl.BlockSpec((D, FFW), lambda i: (0, 0)),
            pl.BlockSpec((FFW, D), lambda i: (0, 0)),
        ],
        out_specs=[
            pl.BlockSpec((TS, TOPK), lambda i: (i, 0)),
            pl.BlockSpec((TS, TOPK), lambda i: (i, 0)),
            pl.BlockSpec((TS, D), lambda i: (i, 0)),
        ],
        out_shape=[
            jax.ShapeDtypeStruct((S, TOPK), jnp.int32),
            jax.ShapeDtypeStruct((S, TOPK), jnp.float32),
            jax.ShapeDtypeStruct((S, D), jnp.float32),
        ],
    )(xf, router_w, router_bias.reshape(1, E), ws_gate, ws_up, ws_down)



def _gmm_body(te_ref, nu_ref, x_ref, wg_ref, wu_ref, wd_ref, out_ref):
    n = pl.program_id(0)

    @pl.when(n < nu_ref[0])
    def _():
        xb = x_ref[...].astype(jnp.bfloat16)
        wg = wg_ref[0].astype(jnp.bfloat16)
        wu = wu_ref[0].astype(jnp.bfloat16)
        wd = wd_ref[0].astype(jnp.bfloat16)
        g = jnp.dot(xb, wg, preferred_element_type=jnp.float32)
        u = jnp.dot(xb, wu, preferred_element_type=jnp.float32)
        h = (g * jax.nn.sigmoid(g) * u).astype(jnp.bfloat16)
        out_ref[...] = jnp.dot(h, wd, preferred_element_type=jnp.float32)


def _gmm(x_padded, we_gate, we_up, we_down, tile_expert, n_used):
    grid_spec = pltpu.PrefetchScalarGridSpec(
        num_scalar_prefetch=2,
        grid=(NT,),
        in_specs=[
            pl.BlockSpec((M, D), lambda n, te, nu: (n, 0)),
            pl.BlockSpec((1, D, FFW), lambda n, te, nu: (te[n], 0, 0)),
            pl.BlockSpec((1, D, FFW), lambda n, te, nu: (te[n], 0, 0)),
            pl.BlockSpec((1, FFW, D), lambda n, te, nu: (te[n], 0, 0)),
        ],
        out_specs=pl.BlockSpec((M, D), lambda n, te, nu: (n, 0)),
    )
    return pl.pallas_call(
        _gmm_body,
        grid_spec=grid_spec,
        out_shape=jax.ShapeDtypeStruct((P, D), jnp.float32),
    )(tile_expert, n_used, x_padded, we_gate, we_up, we_down)



def _dispatch(xf, row_src):
    return jnp.take(xf, row_src, axis=0)


def _combine(out_padded, shared, comb_idx, topk_w):
    rows = jnp.take(out_padded, comb_idx.reshape(-1), axis=0)
    rows = rows.reshape(S, TOPK, D) * topk_w[..., None]
    return shared + jnp.sum(rows, axis=1)



PB = 256
NSUB = S // PB


def _plan_body(idx_ref, dest_ref, te_ref, nu_ref, rank_ref):
    f32 = jnp.float32
    r256 = lax.broadcasted_iota(jnp.int32, (PB, PB), 0)
    c256 = lax.broadcasted_iota(jnp.int32, (PB, PB), 1)
    tril = (r256 > c256).astype(f32)
    lane64 = lax.broadcasted_iota(jnp.int32, (PB, E), 1)

    def onehot(k, sub):
        col = idx_ref[pl.ds(sub * PB, PB), k:k + 1]
        return (col == lane64).astype(f32)

    counts = jnp.zeros((1, E), f32)
    for k in range(TOPK):
        def body1(sub, base):
            oh = onehot(k, sub)
            cum = jnp.dot(tril, oh, preferred_element_type=f32) + base
            rank = jnp.sum(oh * cum, axis=1, keepdims=True)
            rank_ref[pl.ds(sub * PB, PB), k:k + 1] = rank.astype(jnp.int32)
            return base + jnp.sum(oh, axis=0, keepdims=True)
        counts = lax.fori_loop(0, NSUB, body1, counts)

    padded = jnp.floor((counts + (M - 1)) * (1.0 / M)) * M
    e_r = lax.broadcasted_iota(jnp.int32, (E, E), 0)
    e_c = lax.broadcasted_iota(jnp.int32, (E, E), 1)
    incl = (e_r <= e_c).astype(f32)
    cum_p = jnp.dot(padded, incl, preferred_element_type=f32)
    pstart = cum_p - padded

    for k in range(TOPK):
        def body2(sub, carry):
            oh = onehot(k, sub)
            base = jnp.sum(oh * pstart, axis=1, keepdims=True)
            rank = rank_ref[pl.ds(sub * PB, PB), k:k + 1].astype(f32)
            dest_ref[pl.ds(sub * PB, PB), k:k + 1] = (base + rank).astype(jnp.int32)
            return carry
        lax.fori_loop(0, NSUB, body2, 0)

    ident = (e_r == e_c).astype(f32)
    cum_p_col = lax.dot_general(ident, cum_p, (((1,), (1,)), ((), ())),
                                preferred_element_type=f32)
    ntile_lane = (lax.broadcasted_iota(jnp.int32, (E, NT), 1) * M).astype(f32)
    te = jnp.sum((ntile_lane >= cum_p_col).astype(f32), axis=0, keepdims=True)
    te_ref[...] = jnp.minimum(te, E - 1).astype(jnp.int32)
    nu = cum_p[:, E - 1:E] * (1.0 / M)
    nu_ref[...] = jnp.broadcast_to(nu, (1, 128)).astype(jnp.int32)


def _plan(topk_idx):
    dest, te, nu = pl.pallas_call(
        _plan_body,
        grid=(1,),
        in_specs=[pl.BlockSpec((S, TOPK), lambda i: (0, 0))],
        out_specs=[
            pl.BlockSpec((S, TOPK), lambda i: (0, 0)),
            pl.BlockSpec((1, NT), lambda i: (0, 0)),
            pl.BlockSpec((1, 128), lambda i: (0, 0)),
        ],
        out_shape=[
            jax.ShapeDtypeStruct((S, TOPK), jnp.int32),
            jax.ShapeDtypeStruct((1, NT), jnp.int32),
            jax.ShapeDtypeStruct((1, 128), jnp.int32),
        ],
        scratch_shapes=[pltpu.VMEM((S, TOPK), jnp.int32)],
    )(topk_idx)
    return dest, te.reshape(NT), nu.reshape(128)[:1]


def kernel(x, router_w, router_bias, we_gate, we_up, we_down,
           ws_gate, ws_up, ws_down):
    b, s, d = x.shape
    xf = x.reshape(s, d)

    topk_idx, topk_w, shared = _router_shared(
        xf, router_w, router_bias, ws_gate, ws_up, ws_down)

    dest, tile_expert, n_used = _plan(topk_idx)
    tok_ids = jnp.arange(S * TOPK, dtype=jnp.int32) // TOPK
    row_src = jnp.zeros((P,), jnp.int32).at[dest.reshape(-1)].set(tok_ids)

    x_padded = _dispatch(xf, row_src)
    out_padded = _gmm(x_padded, we_gate, we_up, we_down, tile_expert, n_used)
    out = _combine(out_padded, shared, dest.reshape(S, TOPK), topk_w)
    return out.reshape(b, s, d)

# --- scband reference (transcript-rebuilt; emitter-appended) ---
"""Pipeline reference for scband-mo-elayer-13039520710827 (READ-ONLY COPY).

The authoritative reference and input builder live on the scoring server;
editing this copy changes nothing except your own understanding.
"""

import jax, jax.numpy as jnp
import numpy as np

B, S, D = 1, 2048, 1024
E = 64
FFW = 512
TOPK = 8
N_GROUP = 8
TOPK_GROUP = 4
SCALE = 2.5


def setup_inputs(seed: int = 0) -> dict:
    key = jax.random.key(seed)
    ks = jax.random.split(key, 9)
    x = jax.random.normal(ks[0], (B, S, D), dtype=jnp.float32)
    router_w = jax.random.normal(ks[1], (D, E), dtype=jnp.float32) * 0.02
    router_bias = jnp.zeros((E,), dtype=jnp.float32)
    we_gate = jax.random.normal(ks[2], (E, D, FFW), dtype=jnp.float32) * 0.02
    we_up = jax.random.normal(ks[3], (E, D, FFW), dtype=jnp.float32) * 0.02
    we_down = jax.random.normal(ks[4], (E, FFW, D), dtype=jnp.float32) * 0.02
    ws_gate = jax.random.normal(ks[5], (D, FFW), dtype=jnp.float32) * 0.02
    ws_up = jax.random.normal(ks[6], (D, FFW), dtype=jnp.float32) * 0.02
    ws_down = jax.random.normal(ks[7], (FFW, D), dtype=jnp.float32) * 0.02
    return dict(x=x, router_w=router_w, router_bias=router_bias,
                we_gate=we_gate, we_up=we_up, we_down=we_down,
                ws_gate=ws_gate, ws_up=ws_up, ws_down=ws_down)


def _route(x, weight, bias):
    # sigmoid gating with group-limited top-k routing (DeepSeek-V3 style)
    scores = jax.nn.sigmoid(jnp.einsum('bsk,kj->bsj', x, weight)).astype(jnp.float32)
    scores_with_bias = scores + bias
    group_scores = jnp.sum(
        jax.lax.top_k(scores_with_bias.reshape(scores.shape[:-1] + (N_GROUP, -1)), 2)[0], axis=-1)
    group_idx = jax.lax.top_k(group_scores, TOPK_GROUP)[1]
    mask = jnp.any(jnp.arange(N_GROUP)[:, None] == group_idx[..., None, :], axis=-1)
    mask = jnp.repeat(mask, scores.shape[-1] // mask.shape[-1], -1)
    masked_scores = jnp.where(mask, scores_with_bias, 0.0)
    topk_idx = jax.lax.top_k(masked_scores, TOPK)[1]
    topk_weights = jnp.take_along_axis(scores, topk_idx, axis=-1)
    topk_weights = SCALE * topk_weights / (jnp.sum(topk_weights, axis=-1)[..., None] + 1e-20)
    return topk_weights, topk_idx


def reference(x, router_w, router_bias, we_gate, we_up, we_down, ws_gate, ws_up, ws_down):
    topk_weights, topk_idx = _route(x, router_w, router_bias)
    b, s, d = x.shape
    xf = x.reshape(-1, d)
    T = xf.shape[0]
    flat_expert = topk_idx.reshape(-1)
    token_ids = jnp.repeat(jnp.arange(T), TOPK)
    sort_idx = jnp.argsort(flat_expert)
    x_sorted = jnp.take(xf, token_ids[sort_idx], axis=0)
    group_sizes = jnp.bincount(flat_expert, length=E).astype(jnp.int32)
    # ragged (grouped) matmuls over experts, as in the non-megablox _moe_gmm path
    gate = jax.lax.ragged_dot(x_sorted, we_gate, group_sizes)
    up = jax.lax.ragged_dot(x_sorted, we_up, group_sizes)
    h = jax.nn.silu(gate) * up
    out_sorted = jax.lax.ragged_dot(h, we_down, group_sizes)
    # unsort back to (token, k) order and weighted-combine
    out_flat = jnp.zeros((T * TOPK, d), dtype=out_sorted.dtype).at[sort_idx].set(out_sorted)
    routed = jnp.sum(out_flat.reshape(T, TOPK, d) * topk_weights.reshape(T, TOPK)[..., None], axis=1)
    # shared expert MLP
    shared = (jax.nn.silu(xf @ ws_gate) * (xf @ ws_up)) @ ws_down
    return (routed + shared).reshape(b, s, d).astype(jnp.float32)

if __name__ == "__main__":
    import jax
    _d = setup_inputs()
    print(jax.jit(kernel)(*tuple(_d.values())))

</pallas_src>

<mosaic_0001>
module attributes {stable_mosaic.version = 14 : i64} {
  func.func @_plan_body(%arg0: i32, %arg1: memref<2048x8xi32, #tpu.memory_space<vmem>>, %arg2: memref<2048x8xi32, #tpu.memory_space<vmem>>, %arg3: memref<1x128xi32, #tpu.memory_space<vmem>>, %arg4: memref<1x128xi32, #tpu.memory_space<vmem>>, %arg5: memref<2048x8xi32, #tpu.memory_space<vmem>>) attributes {dimension_semantics = [#tpu.dimension_semantics<arbitrary>], iteration_bounds = array<i64: 1>, scalar_prefetch = 0 : i64, scratch_operands = 1 : i64, tpu.core_type = #tpu.core_type<tc>, window_params = [{pipeline_mode = #tpu.pipeline_mode<synchronous>, transform_indices = @transform_0, window_bounds = array<i64: 2048, 8>}, {pipeline_mode = #tpu.pipeline_mode<synchronous>, transform_indices = @transform_1, window_bounds = array<i64: 2048, 8>}, {pipeline_mode = #tpu.pipeline_mode<synchronous>, transform_indices = @transform_2, window_bounds = array<i64: 1, 128>}, {pipeline_mode = #tpu.pipeline_mode<synchronous>, transform_indices = @transform_3, window_bounds = array<i64: 1, 128>}]} {
    %iota3A = tpu.iota {dimensions = array<i32: 0>} : vector<256x256xi32>
    %iota3A_0 = tpu.iota {dimensions = array<i32: 1>} : vector<256x256xi32>
    %gt3A = arith.cmpi sgt, %iota3A, %iota3A_0 : vector<256x256xi32>
    %convert_element_type3A = arith.extui %gt3A : vector<256x256xi1> to vector<256x256xi32>
    %convert_element_type3A_1 = arith.sitofp %convert_element_type3A : vector<256x256xi32> to vector<256x256xf32>
    %iota3A_2 = tpu.iota {dimensions = array<i32: 1>} : vector<256x64xi32>
    %broadcast_in_dim3A = arith.constant 0.000000e+00 : f32
    %broadcast_in_dim3A_3 = vector.broadcast %broadcast_in_dim3A : f32 to vector<1x64xf32>
    %scan3A = arith.constant 0 : i32
    %scan3A_4 = arith.constant 8 : i32
    %scan3A_5 = arith.addi %scan3A, %scan3A_4 : i32
    %scan3A_6 = arith.constant 1 : i32
    %scan3A_7 = scf.for %scan3A_131 = %scan3A to %scan3A_5 step %scan3A_6 iter_args(%scan3A_132 = %broadcast_in_dim3A_3) -> (vector<1x64xf32>)  : i32 {
      %mul3A_133 = arith.constant 256 : i32
      %mul3A_134 = arith.muli %scan3A_131, %mul3A_133 : i32
      %get3A = arith.index_cast %mul3A_134 : i32 to index
      %get3A_135 = arith.constant 0 : index
      %get3A_136 = vector.load %arg1[%get3A, %get3A_135] : memref<2048x8xi32, #tpu.memory_space<vmem>>, vector<256x1xi32>
      %eq3A_137 = vector.broadcast %get3A_136 : vector<256x1xi32> to vector<256x64xi32>
      %eq3A_138 = arith.cmpi eq, %eq3A_137, %iota3A_2 : vector<256x64xi32>
      %convert_element_type3A_139 = arith.extui %eq3A_138 : vector<256x64xi1> to vector<256x64xi32>
      %convert_element_type3A_140 = arith.sitofp %convert_element_type3A_139 : vector<256x64xi32> to vector<256x64xf32>
      %dot_general3A_141 = arith.constant dense<0.000000e+00> : vector<256x64xf32>
      %dot_general3A_142 = tpu.matmul %convert_element_type3A_1, %convert_element_type3A_140, %dot_general3A_141 {dimension_numbers = #tpu.dot_dimension_numbers<[1], [0], [0], [1], [0, 0, 1, 1], [], []>, transpose_lhs_hint = false} : vector<256x256xf32>, vector<256x64xf32>, vector<256x64xf32> -> vector<256x64xf32>
      %add3A_143 = vector.broadcast %scan3A_132 : vector<1x64xf32> to vector<256x64xf32>
      %add3A_144 = arith.addf %dot_general3A_142, %add3A_143 : vector<256x64xf32>
      %mul3A_145 = arith.mulf %convert_element_type3A_140, %add3A_144 : vector<256x64xf32>
      %reduce_sum3A_146 = arith.constant dense<0.000000e+00> : vector<256xf32>
      %reduce_sum3A_147 = vector.multi_reduction <add>, %mul3A_145, %reduce_sum3A_146 [1] : vector<256x64xf32> to vector<256xf32>
      %broadcast_in_dim3A_148 = vector.shape_cast %reduce_sum3A_147 : vector<256xf32> to vector<256x1xf32>
      %convert_element_type3A_149 = arith.fptosi %broadcast_in_dim3A_148 : vector<256x1xf32> to vector<256x1xi32>
      %mul3A_150 = arith.constant 256 : i32
      %mul3A_151 = arith.muli %scan3A_131, %mul3A_150 : i32
      %swap3A_152 = arith.index_cast %mul3A_151 : i32 to index
      %swap3A_153 = arith.constant 0 : index
      %swap3A_154 = vector.load %arg5[%swap3A_152, %swap3A_153] : memref<2048x8xi32, #tpu.memory_space<vmem>>, vector<256x1xi32>
      tpu.vector_store %arg5[%swap3A_152, %swap3A_153], %convert_element_type3A_149 {strides = array<i32>} : memref<2048x8xi32, #tpu.memory_space<vmem>>, vector<256x1xi32>,
      %reduce_sum3A_155 = arith.constant dense<0.000000e+00> : vector<64xf32>
      %reduce_sum3A_156 = vector.multi_reduction <add>, %convert_element_type3A_140, %reduce_sum3A_155 [0] : vector<256x64xf32> to vector<64xf32>
      %broadcast_in_dim3A_157 = vector.shape_cast %reduce_sum3A_156 : vector<64xf32> to vector<1x64xf32>
      %add3A_158 = arith.addf %scan3A_132, %broadcast_in_dim3A_157 : vector<1x64xf32>
      scf.yield %add3A_158 : vector<1x64xf32>
    }
    %scan3A_8 = arith.constant 8 : i32
    %scan3A_9 = arith.constant 0 : i32
    %scan3A_10 = arith.constant 8 : i32
    %scan3A_11 = arith.addi %scan3A_9, %scan3A_10 : i32
    %scan3A_12 = arith.constant 1 : i32
    %scan3A_13 = scf.for %scan3A_131 = %scan3A_9 to %scan3A_11 step %scan3A_12 iter_args(%scan3A_132 = %scan3A_7) -> (vector<1x64xf32>)  : i32 {
      %mul3A_133 = arith.constant 256 : i32
      %mul3A_134 = arith.muli %scan3A_131, %mul3A_133 : i32
      %get3A = arith.index_cast %mul3A_134 : i32 to index
      %get3A_135 = arith.constant 1 : index
      %get3A_136 = vector.load %arg1[%get3A, %get3A_135] : memref<2048x8xi32, #tpu.memory_space<vmem>>, vector<256x1xi32>
      %eq3A_137 = vector.broadcast %get3A_136 : vector<256x1xi32> to vector<256x64xi32>
      %eq3A_138 = arith.cmpi eq, %eq3A_137, %iota3A_2 : vector<256x64xi32>
      %convert_element_type3A_139 = arith.extui %eq3A_138 : vector<256x64xi1> to vector<256x64xi32>
      %convert_element_type3A_140 = arith.sitofp %convert_element_type3A_139 : vector<256x64xi32> to vector<256x64xf32>
      %dot_general3A_141 = arith.constant dense<0.000000e+00> : vector<256x64xf32>
      %dot_general3A_142 = tpu.matmul %convert_element_type3A_1, %convert_element_type3A_140, %dot_general3A_141 {dimension_numbers = #tpu.dot_dimension_numbers<[1], [0], [0], [1], [0, 0, 1, 1], [], []>, transpose_lhs_hint = false} : vector<256x256xf32>, vector<256x64xf32>, vector<256x64xf32> -> vector<256x64xf32>
      %add3A_143 = vector.broadcast %scan3A_132 : vector<1x64xf32> to vector<256x64xf32>
      %add3A_144 = arith.addf %dot_general3A_142, %add3A_143 : vector<256x64xf32>
      %mul3A_145 = arith.mulf %convert_element_type3A_140, %add3A_144 : vector<256x64xf32>
      %reduce_sum3A_146 = arith.constant dense<0.000000e+00> : vector<256xf32>
      %reduce_sum3A_147 = vector.multi_reduction <add>, %mul3A_145, %reduce_sum3A_146 [1] : vector<256x64xf32> to vector<256xf32>
      %broadcast_in_dim3A_148 = vector.shape_cast %reduce_sum3A_147 : vector<256xf32> to vector<256x1xf32>
      %convert_element_type3A_149 = arith.fptosi %broadcast_in_dim3A_148 : vector<256x1xf32> to vector<256x1xi32>
      %mul3A_150 = arith.constant 256 : i32
      %mul3A_151 = arith.muli %scan3A_131, %mul3A_150 : i32
      %swap3A_152 = arith.index_cast %mul3A_151 : i32 to index
      %swap3A_153 = arith.constant 1 : index
      %swap3A_154 = vector.load %arg5[%swap3A_152, %swap3A_153] : memref<2048x8xi32, #tpu.memory_space<vmem>>, vector<256x1xi32>
      tpu.vector_store %arg5[%swap3A_152, %swap3A_153], %convert_element_type3A_149 {strides = array<i32>} : memref<2048x8xi32, #tpu.memory_space<vmem>>, vector<256x1xi32>,
      %reduce_sum3A_155 = arith.constant dense<0.000000e+00> : vector<64xf32>
      %reduce_sum3A_156 = vector.multi_reduction <add>, %convert_element_type3A_140, %reduce_sum3A_155 [0] : vector<256x64xf32> to vector<64xf32>
      %broadcast_in_dim3A_157 = vector.shape_cast %reduce_sum3A_156 : vector<64xf32> to vector<1x64xf32>
      %add3A_158 = arith.addf %scan3A_132, %broadcast_in_dim3A_157 : vector<1x64xf32>
      scf.yield %add3A_158 : vector<1x64xf32>
    }
    %scan3A_14 = arith.constant 8 : i32
    %scan3A_15 = arith.constant 0 : i32
    %scan3A_16 = arith.constant 8 : i32
    %scan3A_17 = arith.addi %scan3A_15, %scan3A_16 : i32
    %scan3A_18 = arith.constant 1 : i32
    %scan3A_19 = scf.for %scan3A_131 = %scan3A_15 to %scan3A_17 step %scan3A_18 iter_args(%scan3A_132 = %scan3A_13) -> (vector<1x64xf32>)  : i32 {
      %mul3A_133 = arith.constant 256 : i32
      %mul3A_134 = arith.muli %scan3A_131, %mul3A_133 : i32
      %get3A = arith.index_cast %mul3A_134 : i32 to index
      %get3A_135 = arith.constant 2 : index
      %get3A_136 = vector.load %arg1[%get3A, %get3A_135] : memref<2048x8xi32, #tpu.memory_space<vmem>>, vector<256x1xi32>
      %eq3A_137 = vector.broadcast %get3A_136 : vector<256x1xi32> to vector<256x64xi32>
      %eq3A_138 = arith.cmpi eq, %eq3A_137, %iota3A_2 : vector<256x64xi32>
      %convert_element_type3A_139 = arith.extui %eq3A_138 : vector<256x64xi1> to vector<256x64xi32>
      %convert_element_type3A_140 = arith.sitofp %convert_element_type3A_139 : vector<256x64xi32> to vector<256x64xf32>
      %dot_general3A_141 = arith.constant dense<0.000000e+00> : vector<256x64xf32>
      %dot_general3A_142 = tpu.matmul %convert_element_type3A_1, %convert_element_type3A_140, %dot_general3A_141 {dimension_numbers = #tpu.dot_dimension_numbers<[1], [0], [0], [1], [0, 0, 1, 1], [], []>, transpose_lhs_hint = false} : vector<256x256xf32>, vector<256x64xf32>, vector<256x64xf32> -> vector<256x64xf32>
      %add3A_143 = vector.broadcast %scan3A_132 : vector<1x64xf32> to vector<256x64xf32>
      %add3A_144 = arith.addf %dot_general3A_142, %add3A_143 : vector<256x64xf32>
      %mul3A_145 = arith.mulf %convert_element_type3A_140, %add3A_144 : vector<256x64xf32>
      %reduce_sum3A_146 = arith.constant dense<0.000000e+00> : vector<256xf32>
      %reduce_sum3A_147 = vector.multi_reduction <add>, %mul3A_145, %reduce_sum3A_146 [1] : vector<256x64xf32> to vector<256xf32>
      %broadcast_in_dim3A_148 = vector.shape_cast %reduce_sum3A_147 : vector<256xf32> to vector<256x1xf32>
      %convert_element_type3A_149 = arith.fptosi %broadcast_in_dim3A_148 : vector<256x1xf32> to vector<256x1xi32>
      %mul3A_150 = arith.constant 256 : i32
      %mul3A_151 = arith.muli %scan3A_131, %mul3A_150 : i32
      %swap3A_152 = arith.index_cast %mul3A_151 : i32 to index
      %swap3A_153 = arith.constant 2 : index
      %swap3A_154 = vector.load %arg5[%swap3A_152, %swap3A_153] : memref<2048x8xi32, #tpu.memory_space<vmem>>, vector<256x1xi32>
      tpu.vector_store %arg5[%swap3A_152, %swap3A_153], %convert_element_type3A_149 {strides = array<i32>} : memref<2048x8xi32, #tpu.memory_space<vmem>>, vector<256x1xi32>,
      %reduce_sum3A_155 = arith.constant dense<0.000000e+00> : vector<64xf32>
      %reduce_sum3A_156 = vector.multi_reduction <add>, %convert_element_type3A_140, %reduce_sum3A_155 [0] : vector<256x64xf32> to vector<64xf32>
      %broadcast_in_dim3A_157 = vector.shape_cast %reduce_sum3A_156 : vector<64xf32> to vector<1x64xf32>
      %add3A_158 = arith.addf %scan3A_132, %broadcast_in_dim3A_157 : vector<1x64xf32>
      scf.yield %add3A_158 : vector<1x64xf32>
    }
    %scan3A_20 = arith.constant 8 : i32
    %scan3A_21 = arith.constant 0 : i32
    %scan3A_22 = arith.constant 8 : i32
    %scan3A_23 = arith.addi %scan3A_21, %scan3A_22 : i32
    %scan3A_24 = arith.constant 1 : i32
    %scan3A_25 = scf.for %scan3A_131 = %scan3A_21 to %scan3A_23 step %scan3A_24 iter_args(%scan3A_132 = %scan3A_19) -> (vector<1x64xf32>)  : i32 {
      %mul3A_133 = arith.constant 256 : i32
      %mul3A_134 = arith.muli %scan3A_131, %mul3A_133 : i32
      %get3A = arith.index_cast %mul3A_134 : i32 to index
      %get3A_135 = arith.constant 3 : index
      %get3A_136 = vector.load %arg1[%get3A, %get3A_135] : memref<2048x8xi32, #tpu.memory_space<vmem>>, vector<256x1xi32>
      %eq3A_137 = vector.broadcast %get3A_136 : vector<256x1xi32> to vector<256x64xi32>
      %eq3A_138 = arith.cmpi eq, %eq3A_137, %iota3A_2 : vector<256x64xi32>
      %convert_element_type3A_139 = arith.extui %eq3A_138 : vector<256x64xi1> to vector<256x64xi32>
      %convert_element_type3A_140 = arith.sitofp %convert_element_type3A_139 : vector<256x64xi32> to vector<256x64xf32>
      %dot_general3A_141 = arith.constant dense<0.000000e+00> : vector<256x64xf32>
      %dot_general3A_142 = tpu.matmul %convert_element_type3A_1, %convert_element_type3A_140, %dot_general3A_141 {dimension_numbers = #tpu.dot_dimension_numbers<[1], [0], [0], [1], [0, 0, 1, 1], [], []>, transpose_lhs_hint = false} : vector<256x256xf32>, vector<256x64xf32>, vector<256x64xf32> -> vector<256x64xf32>
      %add3A_143 = vector.broadcast %scan3A_132 : vector<1x64xf32> to vector<256x64xf32>
      %add3A_144 = arith.addf %dot_general3A_142, %add3A_143 : vector<256x64xf32>
      %mul3A_145 = arith.mulf %convert_element_type3A_140, %add3A_144 : vector<256x64xf32>
      %reduce_sum3A_146 = arith.constant dense<0.000000e+00> : vector<256xf32>
      %reduce_sum3A_147 = vector.multi_reduction <add>, %mul3A_145, %reduce_sum3A_146 [1] : vector<256x64xf32> to vector<256xf32>
      %broadcast_in_dim3A_148 = vector.shape_cast %reduce_sum3A_147 : vector<256xf32> to vector<256x1xf32>
      %convert_element_type3A_149 = arith.fptosi %broadcast_in_dim3A_148 : vector<256x1xf32> to vector<256x1xi32>
      %mul3A_150 = arith.constant 256 : i32
      %mul3A_151 = arith.muli %scan3A_131, %mul3A_150 : i32
      %swap3A_152 = arith.index_cast %mul3A_151 : i32 to index
      %swap3A_153 = arith.constant 3 : index
      %swap3A_154 = vector.load %arg5[%swap3A_152, %swap3A_153] : memref<2048x8xi32, #tpu.memory_space<vmem>>, vector<256x1xi32>
      tpu.vector_store %arg5[%swap3A_152, %swap3A_153], %convert_element_type3A_149 {strides = array<i32>} : memref<2048x8xi32, #tpu.memory_space<vmem>>, vector<256x1xi32>,
      %reduce_sum3A_155 = arith.constant dense<0.000000e+00> : vector<64xf32>
      %reduce_sum3A_156 = vector.multi_reduction <add>, %convert_element_type3A_140, %reduce_sum3A_155 [0] : vector<256x64xf32> to vector<64xf32>
      %broadcast_in_dim3A_157 = vector.shape_cast %reduce_sum3A_156 : vector<64xf32> to vector<1x64xf32>
      %add3A_158 = arith.addf %scan3A_132, %broadcast_in_dim3A_157 : vector<1x64xf32>
      scf.yield %add3A_158 : vector<1x64xf32>
    }
    %scan3A_26 = arith.constant 8 : i32
    %scan3A_27 = arith.constant 0 : i32
    %scan3A_28 = arith.constant 8 : i32
    %scan3A_29 = arith.addi %scan3A_27, %scan3A_28 : i32
    %scan3A_30 = arith.constant 1 : i32
    %scan3A_31 = scf.for %scan3A_131 = %scan3A_27 to %scan3A_29 step %scan3A_30 iter_args(%scan3A_132 = %scan3A_25) -> (vector<1x64xf32>)  : i32 {
      %mul3A_133 = arith.constant 256 : i32
      %mul3A_134 = arith.muli %scan3A_131, %mul3A_133 : i32
      %get3A = arith.index_cast %mul3A_134 : i32 to index
      %get3A_135 = arith.constant 4 : index
      %get3A_136 = vector.load %arg1[%get3A, %get3A_135] : memref<2048x8xi32, #tpu.memory_space<vmem>>, vector<256x1xi32>
      %eq3A_137 = vector.broadcast %get3A_136 : vector<256x1xi32> to vector<256x64xi32>
      %eq3A_138 = arith.cmpi eq, %eq3A_137, %iota3A_2 : vector<256x64xi32>
      %convert_element_type3A_139 = arith.extui %eq3A_138 : vector<256x64xi1> to vector<256x64xi32>
      %convert_element_type3A_140 = arith.sitofp %convert_element_type3A_139 : vector<256x64xi32> to vector<256x64xf32>
      %dot_general3A_141 = arith.constant dense<0.000000e+00> : vector<256x64xf32>
      %dot_general3A_142 = tpu.matmul %convert_element_type3A_1, %convert_element_type3A_140, %dot_general3A_141 {dimension_numbers = #tpu.dot_dimension_numbers<[1], [0], [0], [1], [0, 0, 1, 1], [], []>, transpose_lhs_hint = false} : vector<256x256xf32>, vector<256x64xf32>, vector<256x64xf32> -> vector<256x64xf32>
      %add3A_143 = vector.broadcast %scan3A_132 : vector<1x64xf32> to vector<256x64xf32>
      %add3A_144 = arith.addf %dot_general3A_142, %add3A_143 : vector<256x64xf32>
      %mul3A_145 = arith.mulf %convert_element_type3A_140, %add3A_144 : vector<256x64xf32>
      %reduce_sum3A_146 = arith.constant dense<0.000000e+00> : vector<256xf32>
      %reduce_sum3A_147 = vector.multi_reduction <add>, %mul3A_145, %reduce_sum3A_146 [1] : vector<256x64xf32> to vector<256xf32>
      %broadcast_in_dim3A_148 = vector.shape_cast %reduce_sum3A_147 : vector<256xf32> to vector<256x1xf32>
      %convert_element_type3A_149 = arith.fptosi %broadcast_in_dim3A_148 : vector<256x1xf32> to vector<256x1xi32>
      %mul3A_150 = arith.constant 256 : i32
      %mul3A_151 = arith.muli %scan3A_131, %mul3A_150 : i32
      %swap3A_152 = arith.index_cast %mul3A_151 : i32 to index
      %swap3A_153 = arith.constant 4 : index
      %swap3A_154 = vector.load %arg5[%swap3A_152, %swap3A_153] : memref<2048x8xi32, #tpu.memory_space<vmem>>, vector<256x1xi32>
      tpu.vector_store %arg5[%swap3A_152, %swap3A_153], %convert_element_type3A_149 {strides = array<i32>} : memref<2048x8xi32, #tpu.memory_space<vmem>>, vector<256x1xi32>,
      %reduce_sum3A_155 = arith.constant dense<0.000000e+00> : vector<64xf32>
      %reduce_sum3A_156 = vector.multi_reduction <add>, %convert_element_type3A_140, %reduce_sum3A_155 [0] : vector<256x64xf32> to vector<64xf32>
      %broadcast_in_dim3A_157 = vector.shape_cast %reduce_sum3A_156 : vector<64xf32> to vector<1x64xf32>
      %add3A_158 = arith.addf %scan3A_132, %broadcast_in_dim3A_157 : vector<1x64xf32>
      scf.yield %add3A_158 : vector<1x64xf32>
    }
    %scan3A_32 = arith.constant 8 : i32
    %scan3A_33 = arith.constant 0 : i32
    %scan3A_34 = arith.constant 8 : i32
    %scan3A_35 = arith.addi %scan3A_33, %scan3A_34 : i32
    %scan3A_36 = arith.constant 1 : i32
    %scan3A_37 = scf.for %scan3A_131 = %scan3A_33 to %scan3A_35 step %scan3A_36 iter_args(%scan3A_132 = %scan3A_31) -> (vector<1x64xf32>)  : i32 {
      %mul3A_133 = arith.constant 256 : i32
      %mul3A_134 = arith.muli %scan3A_131, %mul3A_133 : i32
      %get3A = arith.index_cast %mul3A_134 : i32 to index
      %get3A_135 = arith.constant 5 : index
      %get3A_136 = vector.load %arg1[%get3A, %get3A_135] : memref<2048x8xi32, #tpu.memory_space<vmem>>, vector<256x1xi32>
      %eq3A_137 = vector.broadcast %get3A_136 : vector<256x1xi32> to vector<256x64xi32>
      %eq3A_138 = arith.cmpi eq, %eq3A_137, %iota3A_2 : vector<256x64xi32>
      %convert_element_type3A_139 = arith.extui %eq3A_138 : vector<256x64xi1> to vector<256x64xi32>
      %convert_element_type3A_140 = arith.sitofp %convert_element_type3A_139 : vector<256x64xi32> to vector<256x64xf32>
      %dot_general3A_141 = arith.constant dense<0.000000e+00> : vector<256x64xf32>
      %dot_general3A_142 = tpu.matmul %convert_element_type3A_1, %convert_element_type3A_140, %dot_general3A_141 {dimension_numbers = #tpu.dot_dimension_numbers<[1], [0], [0], [1], [0, 0, 1, 1], [], []>, transpose_lhs_hint = false} : vector<256x256xf32>, vector<256x64xf32>, vector<256x64xf32> -> vector<256x64xf32>
      %add3A_143 = vector.broadcast %scan3A_132 : vector<1x64xf32> to vector<256x64xf32>
      %add3A_144 = arith.addf %dot_general3A_142, %add3A_143 : vector<256x64xf32>
      %mul3A_145 = arith.mulf %convert_element_type3A_140, %add3A_144 : vector<256x64xf32>
      %reduce_sum3A_146 = arith.constant dense<0.000000e+00> : vector<256xf32>
      %reduce_sum3A_147 = vector.multi_reduction <add>, %mul3A_145, %reduce_sum3A_146 [1] : vector<256x64xf32> to vector<256xf32>
      %broadcast_in_dim3A_148 = vector.shape_cast %reduce_sum3A_147 : vector<256xf32> to vector<256x1xf32>
      %convert_element_type3A_149 = arith.fptosi %broadcast_in_dim3A_148 : vector<256x1xf32> to vector<256x1xi32>
      %mul3A_150 = arith.constant 256 : i32
      %mul3A_151 = arith.muli %scan3A_131, %mul3A_150 : i32
      %swap3A_152 = arith.index_cast %mul3A_151 : i32 to index
      %swap3A_153 = arith.constant 5 : index
      %swap3A_154 = vector.load %arg5[%swap3A_152, %swap3A_153] : memref<2048x8xi32, #tpu.memory_space<vmem>>, vector<256x1xi32>
      tpu.vector_store %arg5[%swap3A_152, %swap3A_153], %convert_element_type3A_149 {strides = array<i32>} : memref<2048x8xi32, #tpu.memory_space<vmem>>, vector<256x1xi32>,
      %reduce_sum3A_155 = arith.constant dense<0.000000e+00> : vector<64xf32>
      %reduce_sum3A_156 = vector.multi_reduction <add>, %convert_element_type3A_140, %reduce_sum3A_155 [0] : vector<256x64xf32> to vector<64xf32>
      %broadcast_in_dim3A_157 = vector.shape_cast %reduce_sum3A_156 : vector<64xf32> to vector<1x64xf32>
      %add3A_158 = arith.addf %scan3A_132, %broadcast_in_dim3A_157 : vector<1x64xf32>
      scf.yield %add3A_158 : vector<1x64xf32>
    }
    %scan3A_38 = arith.constant 8 : i32
    %scan3A_39 = arith.constant 0 : i32
    %scan3A_40 = arith.constant 8 : i32
    %scan3A_41 = arith.addi %scan3A_39, %scan3A_40 : i32
    %scan3A_42 = arith.constant 1 : i32
    %scan3A_43 = scf.for %scan3A_131 = %scan3A_39 to %scan3A_41 step %scan3A_42 iter_args(%scan3A_132 = %scan3A_37) -> (vector<1x64xf32>)  : i32 {
      %mul3A_133 = arith.constant 256 : i32
      %mul3A_134 = arith.muli %scan3A_131, %mul3A_133 : i32
      %get3A = arith.index_cast %mul3A_134 : i32 to index
      %get3A_135 = arith.constant 6 : index
      %get3A_136 = vector.load %arg1[%get3A, %get3A_135] : memref<2048x8xi32, #tpu.memory_space<vmem>>, vector<256x1xi32>
      %eq3A_137 = vector.broadcast %get3A_136 : vector<256x1xi32> to vector<256x64xi32>
      %eq3A_138 = arith.cmpi eq, %eq3A_137, %iota3A_2 : vector<256x64xi32>
      %convert_element_type3A_139 = arith.extui %eq3A_138 : vector<256x64xi1> to vector<256x64xi32>
      %convert_element_type3A_140 = arith.sitofp %convert_element_type3A_139 : vector<256x64xi32> to vector<256x64xf32>
      %dot_general3A_141 = arith.constant dense<0.000000e+00> : vector<256x64xf32>
      %dot_general3A_142 = tpu.matmul %convert_element_type3A_1, %convert_element_type3A_140, %dot_general3A_141 {dimension_numbers = #tpu.dot_dimension_numbers<[1], [0], [0], [1], [0, 0, 1, 1], [], []>, transpose_lhs_hint = false} : vector<256x256xf32>, vector<256x64xf32>, vector<256x64xf32> -> vector<256x64xf32>
      %add3A_143 = vector.broadcast %scan3A_132 : vector<1x64xf32> to vector<256x64xf32>
      %add3A_144 = arith.addf %dot_general3A_142, %add3A_143 : vector<256x64xf32>
      %mul3A_145 = arith.mulf %convert_element_type3A_140, %add3A_144 : vector<256x64xf32>
      %reduce_sum3A_146 = arith.constant dense<0.000000e+00> : vector<256xf32>
      %reduce_sum3A_147 = vector.multi_reduction <add>, %mul3A_145, %reduce_sum3A_146 [1] : vector<256x64xf32> to vector<256xf32>
      %broadcast_in_dim3A_148 = vector.shape_cast %reduce_sum3A_147 : vector<256xf32> to vector<256x1xf32>
      %convert_element_type3A_149 = arith.fptosi %broadcast_in_dim3A_148 : vector<256x1xf32> to vector<256x1xi32>
      %mul3A_150 = arith.constant 256 : i32
      %mul3A_151 = arith.muli %scan3A_131, %mul3A_150 : i32
      %swap3A_152 = arith.index_cast %mul3A_151 : i32 to index
      %swap3A_153 = arith.constant 6 : index
      %swap3A_154 = vector.load %arg5[%swap3A_152, %swap3A_153] : memref<2048x8xi32, #tpu.memory_space<vmem>>, vector<256x1xi32>
      tpu.vector_store %arg5[%swap3A_152, %swap3A_153], %convert_element_type3A_149 {strides = array<i32>} : memref<2048x8xi32, #tpu.memory_space<vmem>>, vector<256x1xi32>,
      %reduce_sum3A_155 = arith.constant dense<0.000000e+00> : vector<64xf32>
      %reduce_sum3A_156 = vector.multi_reduction <add>, %convert_element_type3A_140, %reduce_sum3A_155 [0] : vector<256x64xf32> to vector<64xf32>
      %broadcast_in_dim3A_157 = vector.shape_cast %reduce_sum3A_156 : vector<64xf32> to vector<1x64xf32>
      %add3A_158 = arith.addf %scan3A_132, %broadcast_in_dim3A_157 : vector<1x64xf32>
      scf.yield %add3A_158 : vector<1x64xf32>
    }
    %scan3A_44 = arith.constant 8 : i32
    %scan3A_45 = arith.constant 0 : i32
    %scan3A_46 = arith.constant 8 : i32
    %scan3A_47 = arith.addi %scan3A_45, %scan3A_46 : i32
    %scan3A_48 = arith.constant 1 : i32
    %scan3A_49 = scf.for %scan3A_131 = %scan3A_45 to %scan3A_47 step %scan3A_48 iter_args(%scan3A_132 = %scan3A_43) -> (vector<1x64xf32>)  : i32 {
      %mul3A_133 = arith.constant 256 : i32
      %mul3A_134 = arith.muli %scan3A_131, %mul3A_133 : i32
      %get3A = arith.index_cast %mul3A_134 : i32 to index
      %get3A_135 = arith.constant 7 : index
      %get3A_136 = vector.load %arg1[%get3A, %get3A_135] : memref<2048x8xi32, #tpu.memory_space<vmem>>, vector<256x1xi32>
      %eq3A_137 = vector.broadcast %get3A_136 : vector<256x1xi32> to vector<256x64xi32>
      %eq3A_138 = arith.cmpi eq, %eq3A_137, %iota3A_2 : vector<256x64xi32>
      %convert_element_type3A_139 = arith.extui %eq3A_138 : vector<256x64xi1> to vector<256x64xi32>
      %convert_element_type3A_140 = arith.sitofp %convert_element_type3A_139 : vector<256x64xi32> to vector<256x64xf32>
      %dot_general3A_141 = arith.constant dense<0.000000e+00> : vector<256x64xf32>
      %dot_general3A_142 = tpu.matmul %convert_element_type3A_1, %convert_element_type3A_140, %dot_general3A_141 {dimension_numbers = #tpu.dot_dimension_numbers<[1], [0], [0], [1], [0, 0, 1, 1], [], []>, transpose_lhs_hint = false} : vector<256x256xf32>, vector<256x64xf32>, vector<256x64xf32> -> vector<256x64xf32>
      %add3A_143 = vector.broadcast %scan3A_132 : vector<1x64xf32> to vector<256x64xf32>
      %add3A_144 = arith.addf %dot_general3A_142, %add3A_143 : vector<256x64xf32>
      %mul3A_145 = arith.mulf %convert_element_type3A_140, %add3A_144 : vector<256x64xf32>
      %reduce_sum3A_146 = arith.constant dense<0.000000e+00> : vector<256xf32>
      %reduce_sum3A_147 = vector.multi_reduction <add>, %mul3A_145, %reduce_sum3A_146 [1] : vector<256x64xf32> to vector<256xf32>
      %broadcast_in_dim3A_148 = vector.shape_cast %reduce_sum3A_147 : vector<256xf32> to vector<256x1xf32>
      %convert_element_type3A_149 = arith.fptosi %broadcast_in_dim3A_148 : vector<256x1xf32> to vector<256x1xi32>
      %mul3A_150 = arith.constant 256 : i32
      %mul3A_151 = arith.muli %scan3A_131, %mul3A_150 : i32
      %swap3A_152 = arith.index_cast %mul3A_151 : i32 to index
      %swap3A_153 = arith.constant 7 : index
      %swap3A_154 = vector.load %arg5[%swap3A_152, %swap3A_153] : memref<2048x8xi32, #tpu.memory_space<vmem>>, vector<256x1xi32>
      tpu.vector_store %arg5[%swap3A_152, %swap3A_153], %convert_element_type3A_149 {strides = array<i32>} : memref<2048x8xi32, #tpu.memory_space<vmem>>, vector<256x1xi32>,
      %reduce_sum3A_155 = arith.constant dense<0.000000e+00> : vector<64xf32>
      %reduce_sum3A_156 = vector.multi_reduction <add>, %convert_element_type3A_140, %reduce_sum3A_155 [0] : vector<256x64xf32> to vector<64xf32>
      %broadcast_in_dim3A_157 = vector.shape_cast %reduce_sum3A_156 : vector<64xf32> to vector<1x64xf32>
      %add3A_158 = arith.addf %scan3A_132, %broadcast_in_dim3A_157 : vector<1x64xf32>
      scf.yield %add3A_158 : vector<1x64xf32>
    }
    %scan3A_50 = arith.constant 8 : i32
    %add3A = arith.constant 2.550000e+02 : f32
    %add3A_51 = vector.broadcast %add3A : f32 to vector<1x64xf32>
    %add3A_52 = arith.addf %scan3A_49, %add3A_51 : vector<1x64xf32>
    %mul3A = arith.constant 3.906250e-03 : f32
    %mul3A_53 = vector.broadcast %mul3A : f32 to vector<1x64xf32>
    %mul3A_54 = arith.mulf %add3A_52, %mul3A_53 : vector<1x64xf32>
    %floor3A = math.floor %mul3A_54 : vector<1x64xf32>
    %mul3A_55 = arith.constant 2.560000e+02 : f32
    %mul3A_56 = vector.broadcast %mul3A_55 : f32 to vector<1x64xf32>
    %mul3A_57 = arith.mulf %floor3A, %mul3A_56 : vector<1x64xf32>
    %iota3A_58 = tpu.iota {dimensions = array<i32: 0>} : vector<64x64xi32>
    %iota3A_59 = tpu.iota {dimensions = array<i32: 1>} : vector<64x64xi32>
    %le3A = arith.cmpi sle, %iota3A_58, %iota3A_59 : vector<64x64xi32>
    %convert_element_type3A_60 = arith.extui %le3A : vector<64x64xi1> to vector<64x64xi32>
    %convert_element_type3A_61 = arith.sitofp %convert_element_type3A_60 : vector<64x64xi32> to vector<64x64xf32>
    %dot_general3A = arith.constant dense<0.000000e+00> : vector<1x64xf32>
    %dot_general3A_62 = tpu.matmul %mul3A_57, %convert_element_type3A_61, %dot_general3A {dimension_numbers = #tpu.dot_dimension_numbers<[1], [0], [0], [1], [0, 0, 1, 1], [], []>, transpose_lhs_hint = false} : vector<1x64xf32>, vector<64x64xf32>, vector<1x64xf32> -> vector<1x64xf32>
    %sub3A = arith.subf %dot_general3A_62, %mul3A_57 : vector<1x64xf32>
    %scan3A_63 = arith.constant 0 : i32
    %scan3A_64 = arith.constant 8 : i32
    %scan3A_65 = arith.addi %scan3A_63, %scan3A_64 : i32
    %scan3A_66 = arith.constant 1 : i32
    scf.for %scan3A_131 = %scan3A_63 to %scan3A_65 step %scan3A_66  : i32 {
      %mul3A_132 = arith.constant 256 : i32
      %mul3A_133 = arith.muli %scan3A_131, %mul3A_132 : i32
      %get3A = arith.index_cast %mul3A_133 : i32 to index
      %get3A_134 = arith.constant 0 : index
      %get3A_135 = vector.load %arg1[%get3A, %get3A_134] : memref<2048x8xi32, #tpu.memory_space<vmem>>, vector<256x1xi32>
      %eq3A_136 = vector.broadcast %get3A_135 : vector<256x1xi32> to vector<256x64xi32>
      %eq3A_137 = arith.cmpi eq, %eq3A_136, %iota3A_2 : vector<256x64xi32>
      %convert_element_type3A_138 = arith.extui %eq3A_137 : vector<256x64xi1> to vector<256x64xi32>
      %convert_element_type3A_139 = arith.sitofp %convert_element_type3A_138 : vector<256x64xi32> to vector<256x64xf32>
      %mul3A_140 = vector.broadcast %sub3A : vector<1x64xf32> to vector<256x64xf32>
      %mul3A_141 = arith.mulf %convert_element_type3A_139, %mul3A_140 : vector<256x64xf32>
      %reduce_sum3A_142 = arith.constant dense<0.000000e+00> : vector<256xf32>
      %reduce_sum3A_143 = vector.multi_reduction <add>, %mul3A_141, %reduce_sum3A_142 [1] : vector<256x64xf32> to vector<256xf32>
      %broadcast_in_dim3A_144 = vector.shape_cast %reduce_sum3A_143 : vector<256xf32> to vector<256x1xf32>
      %mul3A_145 = arith.constant 256 : i32
      %mul3A_146 = arith.muli %scan3A_131, %mul3A_145 : i32
      %get3A_147 = arith.index_cast %mul3A_146 : i32 to index
      %get3A_148 = arith.constant 0 : index
      %get3A_149 = vector.load %arg5[%get3A_147, %get3A_148] : memref<2048x8xi32, #tpu.memory_space<vmem>>, vector<256x1xi32>
      %convert_element_type3A_150 = arith.sitofp %get3A_149 : vector<256x1xi32> to vector<256x1xf32>
      %add3A_151 = arith.addf %broadcast_in_dim3A_144, %convert_element_type3A_150 : vector<256x1xf32>
      %convert_element_type3A_152 = arith.fptosi %add3A_151 : vector<256x1xf32> to vector<256x1xi32>
      %mul3A_153 = arith.constant 256 : i32
      %mul3A_154 = arith.muli %scan3A_131, %mul3A_153 : i32
      %swap3A_155 = arith.index_cast %mul3A_154 : i32 to index
      %swap3A_156 = arith.constant 0 : index
      %swap3A_157 = vector.load %arg2[%swap3A_155, %swap3A_156] : memref<2048x8xi32, #tpu.memory_space<vmem>>, vector<256x1xi32>
      tpu.vector_store %arg2[%swap3A_155, %swap3A_156], %convert_element_type3A_152 {strides = array<i32>} : memref<2048x8xi32, #tpu.memory_space<vmem>>, vector<256x1xi32>,
    }
    %scan3A_67 = arith.constant 8 : i32
    %scan3A_68 = arith.constant 0 : i32
    %scan3A_69 = arith.constant 8 : i32
    %scan3A_70 = arith.addi %scan3A_68, %scan3A_69 : i32
    %scan3A_71 = arith.constant 1 : i32
    scf.for %scan3A_131 = %scan3A_68 to %scan3A_70 step %scan3A_71  : i32 {
      %mul3A_132 = arith.constant 256 : i32
      %mul3A_133 = arith.muli %scan3A_131, %mul3A_132 : i32
      %get3A = arith.index_cast %mul3A_133 : i32 to index
      %get3A_134 = arith.constant 1 : index
      %get3A_135 = vector.load %arg1[%get3A, %get3A_134] : memref<2048x8xi32, #tpu.memory_space<vmem>>, vector<256x1xi32>
      %eq3A_136 = vector.broadcast %get3A_135 : vector<256x1xi32> to vector<256x64xi32>
      %eq3A_137 = arith.cmpi eq, %eq3A_136, %iota3A_2 : vector<256x64xi32>
      %convert_element_type3A_138 = arith.extui %eq3A_137 : vector<256x64xi1> to vector<256x64xi32>
      %convert_element_type3A_139 = arith.sitofp %convert_element_type3A_138 : vector<256x64xi32> to vector<256x64xf32>
      %mul3A_140 = vector.broadcast %sub3A : vector<1x64xf32> to vector<256x64xf32>
      %mul3A_141 = arith.mulf %convert_element_type3A_139, %mul3A_140 : vector<256x64xf32>
      %reduce_sum3A_142 = arith.constant dense<0.000000e+00> : vector<256xf32>
      %reduce_sum3A_143 = vector.multi_reduction <add>, %mul3A_141, %reduce_sum3A_142 [1] : vector<256x64xf32> to vector<256xf32>
      %broadcast_in_dim3A_144 = vector.shape_cast %reduce_sum3A_143 : vector<256xf32> to vector<256x1xf32>
      %mul3A_145 = arith.constant 256 : i32
      %mul3A_146 = arith.muli %scan3A_131, %mul3A_145 : i32
      %get3A_147 = arith.index_cast %mul3A_146 : i32 to index
      %get3A_148 = arith.constant 1 : index
      %get3A_149 = vector.load %arg5[%get3A_147, %get3A_148] : memref<2048x8xi32, #tpu.memory_space<vmem>>, vector<256x1xi32>
      %convert_element_type3A_150 = arith.sitofp %get3A_149 : vector<256x1xi32> to vector<256x1xf32>
      %add3A_151 = arith.addf %broadcast_in_dim3A_144, %convert_element_type3A_150 : vector<256x1xf32>
      %convert_element_type3A_152 = arith.fptosi %add3A_151 : vector<256x1xf32> to vector<256x1xi32>
      %mul3A_153 = arith.constant 256 : i32
      %mul3A_154 = arith.muli %scan3A_131, %mul3A_153 : i32
      %swap3A_155 = arith.index_cast %mul3A_154 : i32 to index
      %swap3A_156 = arith.constant 1 : index
      %swap3A_157 = vector.load %arg2[%swap3A_155, %swap3A_156] : memref<2048x8xi32, #tpu.memory_space<vmem>>, vector<256x1xi32>
      tpu.vector_store %arg2[%swap3A_155, %swap3A_156], %convert_element_type3A_152 {strides = array<i32>} : memref<2048x8xi32, #tpu.memory_space<vmem>>, vector<256x1xi32>,
    }
    %scan3A_72 = arith.constant 8 : i32
    %scan3A_73 = arith.constant 0 : i32
    %scan3A_74 = arith.constant 8 : i32
    %scan3A_75 = arith.addi %scan3A_73, %scan3A_74 : i32
    %scan3A_76 = arith.constant 1 : i32
    scf.for %scan3A_131 = %scan3A_73 to %scan3A_75 step %scan3A_76  : i32 {
      %mul3A_132 = arith.constant 256 : i32
      %mul3A_133 = arith.muli %scan3A_131, %mul3A_132 : i32
      %get3A = arith.index_cast %mul3A_133 : i32 to index
      %get3A_134 = arith.constant 2 : index
      %get3A_135 = vector.load %arg1[%get3A, %get3A_134] : memref<2048x8xi32, #tpu.memory_space<vmem>>, vector<256x1xi32>
      %eq3A_136 = vector.broadcast %get3A_135 : vector<256x1xi32> to vector<256x64xi32>
      %eq3A_137 = arith.cmpi eq, %eq3A_136, %iota3A_2 : vector<256x64xi32>
      %convert_element_type3A_138 = arith.extui %eq3A_137 : vector<256x64xi1> to vector<256x64xi32>
      %convert_element_type3A_139 = arith.sitofp %convert_element_type3A_138 : vector<256x64xi32> to vector<256x64xf32>
      %mul3A_140 = vector.broadcast %sub3A : vector<1x64xf32> to vector<256x64xf32>
      %mul3A_141 = arith.mulf %convert_element_type3A_139, %mul3A_140 : vector<256x64xf32>
      %reduce_sum3A_142 = arith.constant dense<0.000000e+00> : vector<256xf32>
      %reduce_sum3A_143 = vector.multi_reduction <add>, %mul3A_141, %reduce_sum3A_142 [1] : vector<256x64xf32> to vector<256xf32>
      %broadcast_in_dim3A_144 = vector.shape_cast %reduce_sum3A_143 : vector<256xf32> to vector<256x1xf32>
      %mul3A_145 = arith.constant 256 : i32
      %mul3A_146 = arith.muli %scan3A_131, %mul3A_145 : i32
      %get3A_147 = arith.index_cast %mul3A_146 : i32 to index
      %get3A_148 = arith.constant 2 : index
      %get3A_149 = vector.load %arg5[%get3A_147, %get3A_148] : memref<2048x8xi32, #tpu.memory_space<vmem>>, vector<256x1xi32>
      %convert_element_type3A_150 = arith.sitofp %get3A_149 : vector<256x1xi32> to vector<256x1xf32>
      %add3A_151 = arith.addf %broadcast_in_dim3A_144, %convert_element_type3A_150 : vector<256x1xf32>
      %convert_element_type3A_152 = arith.fptosi %add3A_151 : vector<256x1xf32> to vector<256x1xi32>
      %mul3A_153 = arith.constant 256 : i32
      %mul3A_154 = arith.muli %scan3A_131, %mul3A_153 : i32
      %swap3A_155 = arith.index_cast %mul3A_154 : i32 to index
      %swap3A_156 = arith.constant 2 : index
      %swap3A_157 = vector.load %arg2[%swap3A_155, %swap3A_156] : memref<2048x8xi32, #tpu.memory_space<vmem>>, vector<256x1xi32>
      tpu.vector_store %arg2[%swap3A_155, %swap3A_156], %convert_element_type3A_152 {strides = array<i32>} : memref<2048x8xi32, #tpu.memory_space<vmem>>, vector<256x1xi32>,
    }
    %scan3A_77 = arith.constant 8 : i32
    %scan3A_78 = arith.constant 0 : i32
    %scan3A_79 = arith.constant 8 : i32
    %scan3A_80 = arith.addi %scan3A_78, %scan3A_79 : i32
    %scan3A_81 = arith.constant 1 : i32
    scf.for %scan3A_131 = %scan3A_78 to %scan3A_80 step %scan3A_81  : i32 {
      %mul3A_132 = arith.constant 256 : i32
      %mul3A_133 = arith.muli %scan3A_131, %mul3A_132 : i32
      %get3A = arith.index_cast %mul3A_133 : i32 to index
      %get3A_134 = arith.constant 3 : index
      %get3A_135 = vector.load %arg1[%get3A, %get3A_134] : memref<2048x8xi32, #tpu.memory_space<vmem>>, vector<256x1xi32>
      %eq3A_136 = vector.broadcast %get3A_135 : vector<256x1xi32> to vector<256x64xi32>
      %eq3A_137 = arith.cmpi eq, %eq3A_136, %iota3A_2 : vector<256x64xi32>
      %convert_element_type3A_138 = arith.extui %eq3A_137 : vector<256x64xi1> to vector<256x64xi32>
      %convert_element_type3A_139 = arith.sitofp %convert_element_type3A_138 : vector<256x64xi32> to vector<256x64xf32>
      %mul3A_140 = vector.broadcast %sub3A : vector<1x64xf32> to vector<256x64xf32>
      %mul3A_141 = arith.mulf %convert_element_type3A_139, %mul3A_140 : vector<256x64xf32>
      %reduce_sum3A_142 = arith.constant dense<0.000000e+00> : vector<256xf32>
      %reduce_sum3A_143 = vector.multi_reduction <add>, %mul3A_141, %reduce_sum3A_142 [1] : vector<256x64xf32> to vector<256xf32>
      %broadcast_in_dim3A_144 = vector.shape_cast %reduce_sum3A_143 : vector<256xf32> to vector<256x1xf32>
      %mul3A_145 = arith.constant 256 : i32
      %mul3A_146 = arith.muli %scan3A_131, %mul3A_145 : i32
      %get3A_147 = arith.index_cast %mul3A_146 : i32 to index
      %get3A_148 = arith.constant 3 : index
      %get3A_149 = vector.load %arg5[%get3A_147, %get3A_148] : memref<2048x8xi32, #tpu.memory_space<vmem>>, vector<256x1xi32>
      %convert_element_type3A_150 = arith.sitofp %get3A_149 : vector<256x1xi32> to vector<256x1xf32>
      %add3A_151 = arith.addf %broadcast_in_dim3A_144, %convert_element_type3A_150 : vector<256x1xf32>
      %convert_element_type3A_152 = arith.fptosi %add3A_151 : vector<256x1xf32> to vector<256x1xi32>
      %mul3A_153 = arith.constant 256 : i32
      %mul3A_154 = arith.muli %scan3A_131, %mul3A_153 : i32
      %swap3A_155 = arith.index_cast %mul3A_154 : i32 to index
      %swap3A_156 = arith.constant 3 : index
      %swap3A_157 = vector.load %arg2[%swap3A_155, %swap3A_156] : memref<2048x8xi32, #tpu.memory_space<vmem>>, vector<256x1xi32>
      tpu.vector_store %arg2[%swap3A_155, %swap3A_156], %convert_element_type3A_152 {strides = array<i32>} : memref<2048x8xi32, #tpu.memory_space<vmem>>, vector<256x1xi32>,
    }
    %scan3A_82 = arith.constant 8 : i32
    %scan3A_83 = arith.constant 0 : i32
    %scan3A_84 = arith.constant 8 : i32
    %scan3A_85 = arith.addi %scan3A_83, %scan3A_84 : i32
    %scan3A_86 = arith.constant 1 : i32
    scf.for %scan3A_131 = %scan3A_83 to %scan3A_85 step %scan3A_86  : i32 {
      %mul3A_132 = arith.constant 256 : i32
      %mul3A_133 = arith.muli %scan3A_131, %mul3A_132 : i32
      %get3A = arith.index_cast %mul3A_133 : i32 to index
      %get3A_134 = arith.constant 4 : index
      %get3A_135 = vector.load %arg1[%get3A, %get3A_134] : memref<2048x8xi32, #tpu.memory_space<vmem>>, vector<256x1xi32>
      %eq3A_136 = vector.broadcast %get3A_135 : vector<256x1xi32> to vector<256x64xi32>
      %eq3A_137 = arith.cmpi eq, %eq3A_136, %iota3A_2 : vector<256x64xi32>
      %convert_element_type3A_138 = arith.extui %eq3A_137 : vector<256x64xi1> to vector<256x64xi32>
      %convert_element_type3A_139 = arith.sitofp %convert_element_type3A_138 : vector<256x64xi32> to vector<256x64xf32>
      %mul3A_140 = vector.broadcast %sub3A : vector<1x64xf32> to vector<256x64xf32>
      %mul3A_141 = arith.mulf %convert_element_type3A_139, %mul3A_140 : vector<256x64xf32>
      %reduce_sum3A_142 = arith.constant dense<0.000000e+00> : vector<256xf32>
      %reduce_sum3A_143 = vector.multi_reduction <add>, %mul3A_141, %reduce_sum3A_142 [1] : vector<256x64xf32> to vector<256xf32>
      %broadcast_in_dim3A_144 = vector.shape_cast %reduce_sum3A_143 : vector<256xf32> to vector<256x1xf32>
      %mul3A_145 = arith.constant 256 : i32
      %mul3A_146 = arith.muli %scan3A_131, %mul3A_145 : i32
      %get3A_147 = arith.index_cast %mul3A_146 : i32 to index
      %get3A_148 = arith.constant 4 : index
      %get3A_149 = vector.load %arg5[%get3A_147, %get3A_148] : memref<2048x8xi32, #tpu.memory_space<vmem>>, vector<256x1xi32>
      %convert_element_type3A_150 = arith.sitofp %get3A_149 : vector<256x1xi32> to vector<256x1xf32>
      %add3A_151 = arith.addf %broadcast_in_dim3A_144, %convert_element_type3A_150 : vector<256x1xf32>
      %convert_element_type3A_152 = arith.fptosi %add3A_151 : vector<256x1xf32> to vector<256x1xi32>
      %mul3A_153 = arith.constant 256 : i32
      %mul3A_154 = arith.muli %scan3A_131, %mul3A_153 : i32
      %swap3A_155 = arith.index_cast %mul3A_154 : i32 to index
      %swap3A_156 = arith.constant 4 : index
      %swap3A_157 = vector.load %arg2[%swap3A_155, %swap3A_156] : memref<2048x8xi32, #tpu.memory_space<vmem>>, vector<256x1xi32>
      tpu.vector_store %arg2[%swap3A_155, %swap3A_156], %convert_element_type3A_152 {strides = array<i32>} : memref<2048x8xi32, #tpu.memory_space<vmem>>, vector<256x1xi32>,
    }
    %scan3A_87 = arith.constant 8 : i32
    %scan3A_88 = arith.constant 0 : i32
    %scan3A_89 = arith.constant 8 : i32
    %scan3A_90 = arith.addi %scan3A_88, %scan3A_89 : i32
    %scan3A_91 = arith.constant 1 : i32
    scf.for %scan3A_131 = %scan3A_88 to %scan3A_90 step %scan3A_91  : i32 {
      %mul3A_132 = arith.constant 256 : i32
      %mul3A_133 = arith.muli %scan3A_131, %mul3A_132 : i32
      %get3A = arith.index_cast %mul3A_133 : i32 to index
      %get3A_134 = arith.constant 5 : index
      %get3A_135 = vector.load %arg1[%get3A, %get3A_134] : memref<2048x8xi32, #tpu.memory_space<vmem>>, vector<256x1xi32>
      %eq3A_136 = vector.broadcast %get3A_135 : vector<256x1xi32> to vector<256x64xi32>
      %eq3A_137 = arith.cmpi eq, %eq3A_136, %iota3A_2 : vector<256x64xi32>
      %convert_element_type3A_138 = arith.extui %eq3A_137 : vector<256x64xi1> to vector<256x64xi32>
      %convert_element_type3A_139 = arith.sitofp %convert_element_type3A_138 : vector<256x64xi32> to vector<256x64xf32>
      %mul3A_140 = vector.broadcast %sub3A : vector<1x64xf32> to vector<256x64xf32>
      %mul3A_141 = arith.mulf %convert_element_type3A_139, %mul3A_140 : vector<256x64xf32>
      %reduce_sum3A_142 = arith.constant dense<0.000000e+00> : vector<256xf32>
      %reduce_sum3A_143 = vector.multi_reduction <add>, %mul3A_141, %reduce_sum3A_142 [1] : vector<256x64xf32> to vector<256xf32>
      %broadcast_in_dim3A_144 = vector.shape_cast %reduce_sum3A_143 : vector<256xf32> to vector<256x1xf32>
      %mul3A_145 = arith.constant 256 : i32
      %mul3A_146 = arith.muli %scan3A_131, %mul3A_145 : i32
      %get3A_147 = arith.index_cast %mul3A_146 : i32 to index
      %get3A_148 = arith.constant 5 : index
      %get3A_149 = vector.load %arg5[%get3A_147, %get3A_148] : memref<2048x8xi32, #tpu.memory_space<vmem>>, vector<256x1xi32>
      %convert_element_type3A_150 = arith.sitofp %get3A_149 : vector<256x1xi32> to vector<256x1xf32>
      %add3A_151 = arith.addf %broadcast_in_dim3A_144, %convert_element_type3A_150 : vector<256x1xf32>
      %convert_element_type3A_152 = arith.fptosi %add3A_151 : vector<256x1xf32> to vector<256x1xi32>
      %mul3A_153 = arith.constant 256 : i32
      %mul3A_154 = arith.muli %scan3A_131, %mul3A_153 : i32
      %swap3A_155 = arith.index_cast %mul3A_154 : i32 to index
      %swap3A_156 = arith.constant 5 : index
      %swap3A_157 = vector.load %arg2[%swap3A_155, %swap3A_156] : memref<2048x8xi32, #tpu.memory_space<vmem>>, vector<256x1xi32>
      tpu.vector_store %arg2[%swap3A_155, %swap3A_156], %convert_element_type3A_152 {strides = array<i32>} : memref<2048x8xi32, #tpu.memory_space<vmem>>, vector<256x1xi32>,
    }
    %scan3A_92 = arith.constant 8 : i32
    %scan3A_93 = arith.constant 0 : i32
    %scan3A_94 = arith.constant 8 : i32
    %scan3A_95 = arith.addi %scan3A_93, %scan3A_94 : i32
    %scan3A_96 = arith.constant 1 : i32
    scf.for %scan3A_131 = %scan3A_93 to %scan3A_95 step %scan3A_96  : i32 {
      %mul3A_132 = arith.constant 256 : i32
      %mul3A_133 = arith.muli %scan3A_131, %mul3A_132 : i32
      %get3A = arith.index_cast %mul3A_133 : i32 to index
      %get3A_134 = arith.constant 6 : index
      %get3A_135 = vector.load %arg1[%get3A, %get3A_134] : memref<2048x8xi32, #tpu.memory_space<vmem>>, vector<256x1xi32>
      %eq3A_136 = vector.broadcast %get3A_135 : vector<256x1xi32> to vector<256x64xi32>
      %eq3A_137 = arith.cmpi eq, %eq3A_136, %iota3A_2 : vector<256x64xi32>
      %convert_element_type3A_138 = arith.extui %eq3A_137 : vector<256x64xi1> to vector<256x64xi32>
      %convert_element_type3A_139 = arith.sitofp %convert_element_type3A_138 : vector<256x64xi32> to vector<256x64xf32>
      %mul3A_140 = vector.broadcast %sub3A : vector<1x64xf32> to vector<256x64xf32>
      %mul3A_141 = arith.mulf %convert_element_type3A_139, %mul3A_140 : vector<256x64xf32>
      %reduce_sum3A_142 = arith.constant dense<0.000000e+00> : vector<256xf32>
      %reduce_sum3A_143 = vector.multi_reduction <add>, %mul3A_141, %reduce_sum3A_142 [1] : vector<256x64xf32> to vector<256xf32>
      %broadcast_in_dim3A_144 = vector.shape_cast %reduce_sum3A_143 : vector<256xf32> to vector<256x1xf32>
      %mul3A_145 = arith.constant 256 : i32
      %mul3A_146 = arith.muli %scan3A_131, %mul3A_145 : i32
      %get3A_147 = arith.index_cast %mul3A_146 : i32 to index
      %get3A_148 = arith.constant 6 : index
      %get3A_149 = vector.load %arg5[%get3A_147, %get3A_148] : memref<2048x8xi32, #tpu.memory_space<vmem>>, vector<256x1xi32>
      %convert_element_type3A_150 = arith.sitofp %get3A_149 : vector<256x1xi32> to vector<256x1xf32>
      %add3A_151 = arith.addf %broadcast_in_dim3A_144, %convert_element_type3A_150 : vector<256x1xf32>
      %convert_element_type3A_152 = arith.fptosi %add3A_151 : vector<256x1xf32> to vector<256x1xi32>
      %mul3A_153 = arith.constant 256 : i32
      %mul3A_154 = arith.muli %scan3A_131, %mul3A_153 : i32
      %swap3A_155 = arith.index_cast %mul3A_154 : i32 to index
      %swap3A_156 = arith.constant 6 : index
      %swap3A_157 = vector.load %arg2[%swap3A_155, %swap3A_156] : memref<2048x8xi32, #tpu.memory_space<vmem>>, vector<256x1xi32>
      tpu.vector_store %arg2[%swap3A_155, %swap3A_156], %convert_element_type3A_152 {strides = array<i32>} : memref<2048x8xi32, #tpu.memory_space<vmem>>, vector<256x1xi32>,
    }
    %scan3A_97 = arith.constant 8 : i32
    %scan3A_98 = arith.constant 0 : i32
    %scan3A_99 = arith.constant 8 : i32
    %scan3A_100 = arith.addi %scan3A_98, %scan3A_99 : i32
    %scan3A_101 = arith.constant 1 : i32
    scf.for %scan3A_131 = %scan3A_98 to %scan3A_100 step %scan3A_101  : i32 {
      %mul3A_132 = arith.constant 256 : i32
      %mul3A_133 = arith.muli %scan3A_131, %mul3A_132 : i32
      %get3A = arith.index_cast %mul3A_133 : i32 to index
      %get3A_134 = arith.constant 7 : index
      %get3A_135 = vector.load %arg1[%get3A, %get3A_134] : memref<2048x8xi32, #tpu.memory_space<vmem>>, vector<256x1xi32>
      %eq3A_136 = vector.broadcast %get3A_135 : vector<256x1xi32> to vector<256x64xi32>
      %eq3A_137 = arith.cmpi eq, %eq3A_136, %iota3A_2 : vector<256x64xi32>
      %convert_element_type3A_138 = arith.extui %eq3A_137 : vector<256x64xi1> to vector<256x64xi32>
      %convert_element_type3A_139 = arith.sitofp %convert_element_type3A_138 : vector<256x64xi32> to vector<256x64xf32>
      %mul3A_140 = vector.broadcast %sub3A : vector<1x64xf32> to vector<256x64xf32>
      %mul3A_141 = arith.mulf %convert_element_type3A_139, %mul3A_140 : vector<256x64xf32>
      %reduce_sum3A_142 = arith.constant dense<0.000000e+00> : vector<256xf32>
      %reduce_sum3A_143 = vector.multi_reduction <add>, %mul3A_141, %reduce_sum3A_142 [1] : vector<256x64xf32> to vector<256xf32>
      %broadcast_in_dim3A_144 = vector.shape_cast %reduce_sum3A_143 : vector<256xf32> to vector<256x1xf32>
      %mul3A_145 = arith.constant 256 : i32
      %mul3A_146 = arith.muli %scan3A_131, %mul3A_145 : i32
      %get3A_147 = arith.index_cast %mul3A_146 : i32 to index
      %get3A_148 = arith.constant 7 : index
      %get3A_149 = vector.load %arg5[%get3A_147, %get3A_148] : memref<2048x8xi32, #tpu.memory_space<vmem>>, vector<256x1xi32>
      %convert_element_type3A_150 = arith.sitofp %get3A_149 : vector<256x1xi32> to vector<256x1xf32>
      %add3A_151 = arith.addf %broadcast_in_dim3A_144, %convert_element_type3A_150 : vector<256x1xf32>
      %convert_element_type3A_152 = arith.fptosi %add3A_151 : vector<256x1xf32> to vector<256x1xi32>
      %mul3A_153 = arith.constant 256 : i32
      %mul3A_154 = arith.muli %scan3A_131, %mul3A_153 : i32
      %swap3A_155 = arith.index_cast %mul3A_154 : i32 to index
      %swap3A_156 = arith.constant 7 : index
      %swap3A_157 = vector.load %arg2[%swap3A_155, %swap3A_156] : memref<2048x8xi32, #tpu.memory_space<vmem>>, vector<256x1xi32>
      tpu.vector_store %arg2[%swap3A_155, %swap3A_156], %convert_element_type3A_152 {strides = array<i32>} : memref<2048x8xi32, #tpu.memory_space<vmem>>, vector<256x1xi32>,
    }
    %scan3A_102 = arith.constant 8 : i32
    %eq3A = arith.cmpi eq, %iota3A_58, %iota3A_59 : vector<64x64xi32>
    %convert_element_type3A_103 = arith.extui %eq3A : vector<64x64xi1> to vector<64x64xi32>
    %convert_element_type3A_104 = arith.sitofp %convert_element_type3A_103 : vector<64x64xi32> to vector<64x64xf32>
    %dot_general3A_105 = arith.constant dense<0.000000e+00> : vector<64x1xf32>
    %dot_general3A_106 = tpu.matmul %convert_element_type3A_104, %dot_general3A_62, %dot_general3A_105 {dimension_numbers = #tpu.dot_dimension_numbers<[1], [1], [0], [0], [0, 0, 1, 0], [], []>, transpose_lhs_hint = false} : vector<64x64xf32>, vector<1x64xf32>, vector<64x1xf32> -> vector<64x1xf32>
    %iota3A_107 = tpu.iota {dimensions = array<i32: 1>} : vector<64x128xi32>
    %mul3A_108 = arith.constant 256 : i32
    %mul3A_109 = vector.broadcast %mul3A_108 : i32 to vector<64x128xi32>
    %mul3A_110 = arith.muli %iota3A_107, %mul3A_109 : vector<64x128xi32>
    %convert_element_type3A_111 = arith.sitofp %mul3A_110 : vector<64x128xi32> to vector<64x128xf32>
    %ge3A = vector.broadcast %dot_general3A_106 : vector<64x1xf32> to vector<64x128xf32>
    %ge3A_112 = arith.cmpf oge, %convert_element_type3A_111, %ge3A : vector<64x128xf32>
    %convert_element_type3A_113 = arith.extui %ge3A_112 : vector<64x128xi1> to vector<64x128xi32>
    %convert_element_type3A_114 = arith.sitofp %convert_element_type3A_113 : vector<64x128xi32> to vector<64x128xf32>
    %reduce_sum3A = arith.constant dense<0.000000e+00> : vector<128xf32>
    %reduce_sum3A_115 = vector.multi_reduction <add>, %convert_element_type3A_114, %reduce_sum3A [0] : vector<64x128xf32> to vector<128xf32>
    %broadcast_in_dim3A_116 = vector.shape_cast %reduce_sum3A_115 : vector<128xf32> to vector<1x128xf32>
    %min3A = arith.constant 6.300000e+01 : f32
    %min3A_117 = vector.broadcast %min3A : f32 to vector<1x128xf32>
    %min3A_118 = arith.minimumf %broadcast_in_dim3A_116, %min3A_117 : vector<1x128xf32>
    %convert_element_type3A_119 = arith.fptosi %min3A_118 : vector<1x128xf32> to vector<1x128xi32>
    %swap3A = arith.constant 0 : index
    %swap3A_120 = arith.constant 0 : index
    %swap3A_121 = vector.load %arg3[%swap3A, %swap3A_120] : memref<1x128xi32, #tpu.memory_space<vmem>>, vector<1x128xi32>
    tpu.vector_store %arg3[%swap3A, %swap3A_120], %convert_element_type3A_119 {strides = array<i32>} : memref<1x128xi32, #tpu.memory_space<vmem>>, vector<1x128xi32>,
    %slice3A = vector.extract_strided_slice %dot_general3A_62 {offsets = [0, 63], sizes = [1, 1], strides = [1, 1]} : vector<1x64xf32> to vector<1x1xf32>
    %mul3A_122 = arith.constant 3.906250e-03 : f32
    %mul3A_123 = vector.broadcast %mul3A_122 : f32 to vector<1x1xf32>
    %mul3A_124 = arith.mulf %slice3A, %mul3A_123 : vector<1x1xf32>
    %broadcast_in_dim3A_125 = vector.shape_cast %mul3A_124 : vector<1x1xf32> to vector<1x1xf32>
    %broadcast_in_dim3A_126 = vector.broadcast %broadcast_in_dim3A_125 : vector<1x1xf32> to vector<1x128xf32>
    %convert_element_type3A_127 = arith.fptosi %broadcast_in_dim3A_126 : vector<1x128xf32> to vector<1x128xi32>
    %swap3A_128 = arith.constant 0 : index
    %swap3A_129 = arith.constant 0 : index
    %swap3A_130 = vector.load %arg4[%swap3A_128, %swap3A_129] : memref<1x128xi32, #tpu.memory_space<vmem>>, vector<1x128xi32>
    tpu.vector_store %arg4[%swap3A_128, %swap3A_129], %convert_element_type3A_127 {strides = array<i32>} : memref<1x128xi32, #tpu.memory_space<vmem>>, vector<1x128xi32>,
    return
  }
  func.func @transform_0(%arg0: i32) -> (i32, i32) {
    %c0_i32 = arith.constant 0 : i32
    %c0_i32_0 = arith.constant 0 : i32
    %c0_i32_1 = arith.constant 0 : i32
    return %c0_i32, %c0_i32_0 : i32, i32
  }
  func.func @transform_1(%arg0: i32) -> (i32, i32) {
    %c0_i32 = arith.constant 0 : i32
    %c0_i32_0 = arith.constant 0 : i32
    %c0_i32_1 = arith.constant 0 : i32
    return %c0_i32, %c0_i32_0 : i32, i32
  }
  func.func @transform_2(%arg0: i32) -> (i32, i32) {
    %c0_i32 = arith.constant 0 : i32
    %c0_i32_0 = arith.constant 0 : i32
    %c0_i32_1 = arith.constant 0 : i32
    return %c0_i32, %c0_i32_0 : i32, i32
  }
  func.func @transform_3(%arg0: i32) -> (i32, i32) {
    %c0_i32 = arith.constant 0 : i32
    %c0_i32_0 = arith.constant 0 : i32
    %c0_i32_1 = arith.constant 0 : i32
    return %c0_i32, %c0_i32_0 : i32, i32
  }
}

module attributes {stable_mosaic.version = 14 : i64} {
  func.func @_router_body(%arg0: i32, %arg1: memref<256x1024xf32, #tpu.memory_space<vmem>>, %arg2: memref<1024x64xf32, #tpu.memory_space<vmem>>, %arg3: memref<1x64xf32, #tpu.memory_space<vmem>>, %arg4: memref<1024x512xf32, #tpu.memory_space<vmem>>, %arg5: memref<1024x512xf32, #tpu.memory_space<vmem>>, %arg6: memref<512x1024xf32, #tpu.memory_space<vmem>>, %arg7: memref<256x8xi32, #tpu.memory_space<vmem>>, %arg8: memref<256x8xf32, #tpu.memory_space<vmem>>, %arg9: memref<256x1024xf32, #tpu.memory_space<vmem>>) attributes {dimension_semantics = [#tpu.dimension_semantics<arbitrary>], iteration_bounds = array<i64: 8>, scalar_prefetch = 0 : i64, scratch_operands = 0 : i64, tpu.core_type = #tpu.core_type<tc>, window_params = [{transform_indices = @transform_0, window_bounds = array<i64: 256, 1024>}, {pipeline_mode = #tpu.pipeline_mode<synchronous>, transform_indices = @transform_1, window_bounds = array<i64: 1024, 64>}, {pipeline_mode = #tpu.pipeline_mode<synchronous>, transform_indices = @transform_2, window_bounds = array<i64: 1, 64>}, {pipeline_mode = #tpu.pipeline_mode<synchronous>, transform_indices = @transform_3, window_bounds = array<i64: 1024, 512>}, {pipeline_mode = #tpu.pipeline_mode<synchronous>, transform_indices = @transform_4, window_bounds = array<i64: 1024, 512>}, {pipeline_mode = #tpu.pipeline_mode<synchronous>, transform_indices = @transform_5, window_bounds = array<i64: 512, 1024>}, {transform_indices = @transform_6, window_bounds = array<i64: 256, 8>}, {transform_indices = @transform_7, window_bounds = array<i64: 256, 8>}, {transform_indices = @transform_8, window_bounds = array<i64: 256, 1024>}]} {
    %get3A = arith.constant 0 : index
    %get3A_0 = arith.constant 0 : index
    %get3A_1 = vector.load %arg1[%get3A, %get3A_0] : memref<256x1024xf32, #tpu.memory_space<vmem>>, vector<256x1024xf32>
    %get3A_2 = arith.constant 0 : index
    %get3A_3 = arith.constant 0 : index
    %get3A_4 = vector.load %arg2[%get3A_2, %get3A_3] : memref<1024x64xf32, #tpu.memory_space<vmem>>, vector<1024x64xf32>
    %dot_general3A = arith.constant dense<0.000000e+00> : vector<256x64xf32>
    %dot_general3A_5 = tpu.matmul %get3A_1, %get3A_4, %dot_general3A {dimension_numbers = #tpu.dot_dimension_numbers<[1], [0], [0], [1], [0, 0, 1, 1], [], []>, transpose_lhs_hint = false} : vector<256x1024xf32>, vector<1024x64xf32>, vector<256x64xf32> -> vector<256x64xf32>
    %logistic3A = arith.negf %dot_general3A_5 : vector<256x64xf32>
    %logistic3A_6 = math.exp %logistic3A : vector<256x64xf32>
    %logistic3A_7 = arith.constant 1.000000e+00 : f32
    %logistic3A_8 = vector.broadcast %logistic3A_7 : f32 to vector<256x64xf32>
    %logistic3A_9 = arith.addf %logistic3A_8, %logistic3A_6 : vector<256x64xf32>
    %logistic3A_10 = arith.divf %logistic3A_8, %logistic3A_9 : vector<256x64xf32>
    %get3A_11 = arith.constant 0 : index
    %get3A_12 = arith.constant 0 : index
    %get3A_13 = vector.load %arg3[%get3A_11, %get3A_12] : memref<1x64xf32, #tpu.memory_space<vmem>>, vector<1x64xf32>
    %add3A = vector.broadcast %get3A_13 : vector<1x64xf32> to vector<256x64xf32>
    %add3A_14 = arith.addf %logistic3A_10, %add3A : vector<256x64xf32>
    %iota3A = tpu.iota {dimensions = array<i32: 1>} : vector<256x8xi32>
    %slice3A = vector.extract_strided_slice %add3A_14 {offsets = [0, 0], sizes = [256, 8], strides = [1, 1]} : vector<256x64xf32> to vector<256x8xf32>
    %reduce_max3A = arith.constant dense<0xFF800000> : vector<256xf32>
    %reduce_max3A_15 = vector.multi_reduction <maximumf>, %slice3A, %reduce_max3A [1] : vector<256x8xf32> to vector<256xf32>
    %broadcast_in_dim3A = vector.shape_cast %reduce_max3A_15 : vector<256xf32> to vector<256x1xf32>
    %eq3A = vector.broadcast %broadcast_in_dim3A : vector<256x1xf32> to vector<256x8xf32>
    %eq3A_16 = arith.cmpf oeq, %slice3A, %eq3A : vector<256x8xf32>
    %jit3A = arith.constant 8 : i32
    %broadcast_in_dim3A_17 = vector.broadcast %jit3A : i32 to vector<256x8xi32>
    %select_n3A = arith.select %eq3A_16, %iota3A, %broadcast_in_dim3A_17 : vector<256x8xi1>, vector<256x8xi32>
    %reduce_min3A = arith.constant dense<2147483647> : vector<256xi32>
    %reduce_min3A_18 = vector.multi_reduction <minsi>, %select_n3A, %reduce_min3A [1] : vector<256x8xi32> to vector<256xi32>
    %broadcast_in_dim3A_19 = vector.shape_cast %reduce_min3A_18 : vector<256xi32> to vector<256x1xi32>
    %eq3A_20 = vector.broadcast %broadcast_in_dim3A_19 : vector<256x1xi32> to vector<256x8xi32>
    %eq3A_21 = arith.cmpi eq, %iota3A, %eq3A_20 : vector<256x8xi32>
    %jit3A_22 = arith.constant 0xFF800000 : f32
    %broadcast_in_dim3A_23 = vector.broadcast %jit3A_22 : f32 to vector<256x8xf32>
    %select_n3A_24 = arith.select %eq3A_21, %broadcast_in_dim3A_23, %slice3A : vector<256x8xi1>, vector<256x8xf32>
    %reduce_max3A_25 = arith.constant dense<0xFF800000> : vector<256xf32>
    %reduce_max3A_26 = vector.multi_reduction <maximumf>, %select_n3A_24, %reduce_max3A_25 [1] : vector<256x8xf32> to vector<256xf32>
    %broadcast_in_dim3A_27 = vector.shape_cast %reduce_max3A_26 : vector<256xf32> to vector<256x1xf32>
    %add3A_28 = arith.addf %broadcast_in_dim3A, %broadcast_in_dim3A_27 : vector<256x1xf32>
    %slice3A_29 = vector.extract_strided_slice %add3A_14 {offsets = [0, 8], sizes = [256, 8], strides = [1, 1]} : vector<256x64xf32> to vector<256x8xf32>
    %reduce_max3A_30 = arith.constant dense<0xFF800000> : vector<256xf32>
    %reduce_max3A_31 = vector.multi_reduction <maximumf>, %slice3A_29, %reduce_max3A_30 [1] : vector<256x8xf32> to vector<256xf32>
    %broadcast_in_dim3A_32 = vector.shape_cast %reduce_max3A_31 : vector<256xf32> to vector<256x1xf32>
    %eq3A_33 = vector.broadcast %broadcast_in_dim3A_32 : vector<256x1xf32> to vector<256x8xf32>
    %eq3A_34 = arith.cmpf oeq, %slice3A_29, %eq3A_33 : vector<256x8xf32>
    %jit3A_35 = arith.constant 8 : i32
    %broadcast_in_dim3A_36 = vector.broadcast %jit3A_35 : i32 to vector<256x8xi32>
    %select_n3A_37 = arith.select %eq3A_34, %iota3A, %broadcast_in_dim3A_36 : vector<256x8xi1>, vector<256x8xi32>
    %reduce_min3A_38 = arith.constant dense<2147483647> : vector<256xi32>
    %reduce_min3A_39 = vector.multi_reduction <minsi>, %select_n3A_37, %reduce_min3A_38 [1] : vector<256x8xi32> to vector<256xi32>
    %broadcast_in_dim3A_40 = vector.shape_cast %reduce_min3A_39 : vector<256xi32> to vector<256x1xi32>
    %eq3A_41 = vector.broadcast %broadcast_in_dim3A_40 : vector<256x1xi32> to vector<256x8xi32>
    %eq3A_42 = arith.cmpi eq, %iota3A, %eq3A_41 : vector<256x8xi32>
    %jit3A_43 = arith.constant 0xFF800000 : f32
    %broadcast_in_dim3A_44 = vector.broadcast %jit3A_43 : f32 to vector<256x8xf32>
    %select_n3A_45 = arith.select %eq3A_42, %broadcast_in_dim3A_44, %slice3A_29 : vector<256x8xi1>, vector<256x8xf32>
    %reduce_max3A_46 = arith.constant dense<0xFF800000> : vector<256xf32>
    %reduce_max3A_47 = vector.multi_reduction <maximumf>, %select_n3A_45, %reduce_max3A_46 [1] : vector<256x8xf32> to vector<256xf32>
    %broadcast_in_dim3A_48 = vector.shape_cast %reduce_max3A_47 : vector<256xf32> to vector<256x1xf32>
    %add3A_49 = arith.addf %broadcast_in_dim3A_32, %broadcast_in_dim3A_48 : vector<256x1xf32>
    %slice3A_50 = vector.extract_strided_slice %add3A_14 {offsets = [0, 16], sizes = [256, 8], strides = [1, 1]} : vector<256x64xf32> to vector<256x8xf32>
    %reduce_max3A_51 = arith.constant dense<0xFF800000> : vector<256xf32>
    %reduce_max3A_52 = vector.multi_reduction <maximumf>, %slice3A_50, %reduce_max3A_51 [1] : vector<256x8xf32> to vector<256xf32>
    %broadcast_in_dim3A_53 = vector.shape_cast %reduce_max3A_52 : vector<256xf32> to vector<256x1xf32>
    %eq3A_54 = vector.broadcast %broadcast_in_dim3A_53 : vector<256x1xf32> to vector<256x8xf32>
    %eq3A_55 = arith.cmpf oeq, %slice3A_50, %eq3A_54 : vector<256x8xf32>
    %jit3A_56 = arith.constant 8 : i32
    %broadcast_in_dim3A_57 = vector.broadcast %jit3A_56 : i32 to vector<256x8xi32>
    %select_n3A_58 = arith.select %eq3A_55, %iota3A, %broadcast_in_dim3A_57 : vector<256x8xi1>, vector<256x8xi32>
    %reduce_min3A_59 = arith.constant dense<2147483647> : vector<256xi32>
    %reduce_min3A_60 = vector.multi_reduction <minsi>, %select_n3A_58, %reduce_min3A_59 [1] : vector<256x8xi32> to vector<256xi32>
    %broadcast_in_dim3A_61 = vector.shape_cast %reduce_min3A_60 : vector<256xi32> to vector<256x1xi32>
    %eq3A_62 = vector.broadcast %broadcast_in_dim3A_61 : vector<256x1xi32> to vector<256x8xi32>
    %eq3A_63 = arith.cmpi eq, %iota3A, %eq3A_62 : vector<256x8xi32>
    %jit3A_64 = arith.constant 0xFF800000 : f32
    %broadcast_in_dim3A_65 = vector.broadcast %jit3A_64 : f32 to vector<256x8xf32>
    %select_n3A_66 = arith.select %eq3A_63, %broadcast_in_dim3A_65, %slice3A_50 : vector<256x8xi1>, vector<256x8xf32>
    %reduce_max3A_67 = arith.constant dense<0xFF800000> : vector<256xf32>
    %reduce_max3A_68 = vector.multi_reduction <maximumf>, %select_n3A_66, %reduce_max3A_67 [1] : vector<256x8xf32> to vector<256xf32>
    %broadcast_in_dim3A_69 = vector.shape_cast %reduce_max3A_68 : vector<256xf32> to vector<256x1xf32>
    %add3A_70 = arith.addf %broadcast_in_dim3A_53, %broadcast_in_dim3A_69 : vector<256x1xf32>
    %slice3A_71 = vector.extract_strided_slice %add3A_14 {offsets = [0, 24], sizes = [256, 8], strides = [1, 1]} : vector<256x64xf32> to vector<256x8xf32>
    %reduce_max3A_72 = arith.constant dense<0xFF800000> : vector<256xf32>
    %reduce_max3A_73 = vector.multi_reduction <maximumf>, %slice3A_71, %reduce_max3A_72 [1] : vector<256x8xf32> to vector<256xf32>
    %broadcast_in_dim3A_74 = vector.shape_cast %reduce_max3A_73 : vector<256xf32> to vector<256x1xf32>
    %eq3A_75 = vector.broadcast %broadcast_in_dim3A_74 : vector<256x1xf32> to vector<256x8xf32>
    %eq3A_76 = arith.cmpf oeq, %slice3A_71, %eq3A_75 : vector<256x8xf32>
    %jit3A_77 = arith.constant 8 : i32
    %broadcast_in_dim3A_78 = vector.broadcast %jit3A_77 : i32 to vector<256x8xi32>
    %select_n3A_79 = arith.select %eq3A_76, %iota3A, %broadcast_in_dim3A_78 : vector<256x8xi1>, vector<256x8xi32>
    %reduce_min3A_80 = arith.constant dense<2147483647> : vector<256xi32>
    %reduce_min3A_81 = vector.multi_reduction <minsi>, %select_n3A_79, %reduce_min3A_80 [1] : vector<256x8xi32> to vector<256xi32>
    %broadcast_in_dim3A_82 = vector.shape_cast %reduce_min3A_81 : vector<256xi32> to vector<256x1xi32>
    %eq3A_83 = vector.broadcast %broadcast_in_dim3A_82 : vector<256x1xi32> to vector<256x8xi32>
    %eq3A_84 = arith.cmpi eq, %iota3A, %eq3A_83 : vector<256x8xi32>
    %jit3A_85 = arith.constant 0xFF800000 : f32
    %broadcast_in_dim3A_86 = vector.broadcast %jit3A_85 : f32 to vector<256x8xf32>
    %select_n3A_87 = arith.select %eq3A_84, %broadcast_in_dim3A_86, %slice3A_71 : vector<256x8xi1>, vector<256x8xf32>
    %reduce_max3A_88 = arith.constant dense<0xFF800000> : vector<256xf32>
    %reduce_max3A_89 = vector.multi_reduction <maximumf>, %select_n3A_87, %reduce_max3A_88 [1] : vector<256x8xf32> to vector<256xf32>
    %broadcast_in_dim3A_90 = vector.shape_cast %reduce_max3A_89 : vector<256xf32> to vector<256x1xf32>
    %add3A_91 = arith.addf %broadcast_in_dim3A_74, %broadcast_in_dim3A_90 : vector<256x1xf32>
    %slice3A_92 = vector.extract_strided_slice %add3A_14 {offsets = [0, 32], sizes = [256, 8], strides = [1, 1]} : vector<256x64xf32> to vector<256x8xf32>
    %reduce_max3A_93 = arith.constant dense<0xFF800000> : vector<256xf32>
    %reduce_max3A_94 = vector.multi_reduction <maximumf>, %slice3A_92, %reduce_max3A_93 [1] : vector<256x8xf32> to vector<256xf32>
    %broadcast_in_dim3A_95 = vector.shape_cast %reduce_max3A_94 : vector<256xf32> to vector<256x1xf32>
    %eq3A_96 = vector.broadcast %broadcast_in_dim3A_95 : vector<256x1xf32> to vector<256x8xf32>
    %eq3A_97 = arith.cmpf oeq, %slice3A_92, %eq3A_96 : vector<256x8xf32>
    %jit3A_98 = arith.constant 8 : i32
    %broadcast_in_dim3A_99 = vector.broadcast %jit3A_98 : i32 to vector<256x8xi32>
    %select_n3A_100 = arith.select %eq3A_97, %iota3A, %broadcast_in_dim3A_99 : vector<256x8xi1>, vector<256x8xi32>
    %reduce_min3A_101 = arith.constant dense<2147483647> : vector<256xi32>
    %reduce_min3A_102 = vector.multi_reduction <minsi>, %select_n3A_100, %reduce_min3A_101 [1] : vector<256x8xi32> to vector<256xi32>
    %broadcast_in_dim3A_103 = vector.shape_cast %reduce_min3A_102 : vector<256xi32> to vector<256x1xi32>
    %eq3A_104 = vector.broadcast %broadcast_in_dim3A_103 : vector<256x1xi32> to vector<256x8xi32>
    %eq3A_105 = arith.cmpi eq, %iota3A, %eq3A_104 : vector<256x8xi32>
    %jit3A_106 = arith.constant 0xFF800000 : f32
    %broadcast_in_dim3A_107 = vector.broadcast %jit3A_106 : f32 to vector<256x8xf32>
    %select_n3A_108 = arith.select %eq3A_105, %broadcast_in_dim3A_107, %slice3A_92 : vector<256x8xi1>, vector<256x8xf32>
    %reduce_max3A_109 = arith.constant dense<0xFF800000> : vector<256xf32>
    %reduce_max3A_110 = vector.multi_reduction <maximumf>, %select_n3A_108, %reduce_max3A_109 [1] : vector<256x8xf32> to vector<256xf32>
    %broadcast_in_dim3A_111 = vector.shape_cast %reduce_max3A_110 : vector<256xf32> to vector<256x1xf32>
    %add3A_112 = arith.addf %broadcast_in_dim3A_95, %broadcast_in_dim3A_111 : vector<256x1xf32>
    %slice3A_113 = vector.extract_strided_slice %add3A_14 {offsets = [0, 40], sizes = [256, 8], strides = [1, 1]} : vector<256x64xf32> to vector<256x8xf32>
    %reduce_max3A_114 = arith.constant dense<0xFF800000> : vector<256xf32>
    %reduce_max3A_115 = vector.multi_reduction <maximumf>, %slice3A_113, %reduce_max3A_114 [1] : vector<256x8xf32> to vector<256xf32>
    %broadcast_in_dim3A_116 = vector.shape_cast %reduce_max3A_115 : vector<256xf32> to vector<256x1xf32>
    %eq3A_117 = vector.broadcast %broadcast_in_dim3A_116 : vector<256x1xf32> to vector<256x8xf32>
    %eq3A_118 = arith.cmpf oeq, %slice3A_113, %eq3A_117 : vector<256x8xf32>
    %jit3A_119 = arith.constant 8 : i32
    %broadcast_in_dim3A_120 = vector.broadcast %jit3A_119 : i32 to vector<256x8xi32>
    %select_n3A_121 = arith.select %eq3A_118, %iota3A, %broadcast_in_dim3A_120 : vector<256x8xi1>, vector<256x8xi32>
    %reduce_min3A_122 = arith.constant dense<2147483647> : vector<256xi32>
    %reduce_min3A_123 = vector.multi_reduction <minsi>, %select_n3A_121, %reduce_min3A_122 [1] : vector<256x8xi32> to vector<256xi32>
    %broadcast_in_dim3A_124 = vector.shape_cast %reduce_min3A_123 : vector<256xi32> to vector<256x1xi32>
    %eq3A_125 = vector.broadcast %broadcast_in_dim3A_124 : vector<256x1xi32> to vector<256x8xi32>
    %eq3A_126 = arith.cmpi eq, %iota3A, %eq3A_125 : vector<256x8xi32>
    %jit3A_127 = arith.constant 0xFF800000 : f32
    %broadcast_in_dim3A_128 = vector.broadcast %jit3A_127 : f32 to vector<256x8xf32>
    %select_n3A_129 = arith.select %eq3A_126, %broadcast_in_dim3A_128, %slice3A_113 : vector<256x8xi1>, vector<256x8xf32>
    %reduce_max3A_130 = arith.constant dense<0xFF800000> : vector<256xf32>
    %reduce_max3A_131 = vector.multi_reduction <maximumf>, %select_n3A_129, %reduce_max3A_130 [1] : vector<256x8xf32> to vector<256xf32>
    %broadcast_in_dim3A_132 = vector.shape_cast %reduce_max3A_131 : vector<256xf32> to vector<256x1xf32>
    %add3A_133 = arith.addf %broadcast_in_dim3A_116, %broadcast_in_dim3A_132 : vector<256x1xf32>
    %slice3A_134 = vector.extract_strided_slice %add3A_14 {offsets = [0, 48], sizes = [256, 8], strides = [1, 1]} : vector<256x64xf32> to vector<256x8xf32>
    %reduce_max3A_135 = arith.constant dense<0xFF800000> : vector<256xf32>
    %reduce_max3A_136 = vector.multi_reduction <maximumf>, %slice3A_134, %reduce_max3A_135 [1] : vector<256x8xf32> to vector<256xf32>
    %broadcast_in_dim3A_137 = vector.shape_cast %reduce_max3A_136 : vector<256xf32> to vector<256x1xf32>
    %eq3A_138 = vector.broadcast %broadcast_in_dim3A_137 : vector<256x1xf32> to vector<256x8xf32>
    %eq3A_139 = arith.cmpf oeq, %slice3A_134, %eq3A_138 : vector<256x8xf32>
    %jit3A_140 = arith.constant 8 : i32
    %broadcast_in_dim3A_141 = vector.broadcast %jit3A_140 : i32 to vector<256x8xi32>
    %select_n3A_142 = arith.select %eq3A_139, %iota3A, %broadcast_in_dim3A_141 : vector<256x8xi1>, vector<256x8xi32>
    %reduce_min3A_143 = arith.constant dense<2147483647> : vector<256xi32>
    %reduce_min3A_144 = vector.multi_reduction <minsi>, %select_n3A_142, %reduce_min3A_143 [1] : vector<256x8xi32> to vector<256xi32>
    %broadcast_in_dim3A_145 = vector.shape_cast %reduce_min3A_144 : vector<256xi32> to vector<256x1xi32>
    %eq3A_146 = vector.broadcast %broadcast_in_dim3A_145 : vector<256x1xi32> to vector<256x8xi32>
    %eq3A_147 = arith.cmpi eq, %iota3A, %eq3A_146 : vector<256x8xi32>
    %jit3A_148 = arith.constant 0xFF800000 : f32
    %broadcast_in_dim3A_149 = vector.broadcast %jit3A_148 : f32 to vector<256x8xf32>
    %select_n3A_150 = arith.select %eq3A_147, %broadcast_in_dim3A_149, %slice3A_134 : vector<256x8xi1>, vector<256x8xf32>
    %reduce_max3A_151 = arith.constant dense<0xFF800000> : vector<256xf32>
    %reduce_max3A_152 = vector.multi_reduction <maximumf>, %select_n3A_150, %reduce_max3A_151 [1] : vector<256x8xf32> to vector<256xf32>
    %broadcast_in_dim3A_153 = vector.shape_cast %reduce_max3A_152 : vector<256xf32> to vector<256x1xf32>
    %add3A_154 = arith.addf %broadcast_in_dim3A_137, %broadcast_in_dim3A_153 : vector<256x1xf32>
    %slice3A_155 = vector.extract_strided_slice %add3A_14 {offsets = [0, 56], sizes = [256, 8], strides = [1, 1]} : vector<256x64xf32> to vector<256x8xf32>
    %reduce_max3A_156 = arith.constant dense<0xFF800000> : vector<256xf32>
    %reduce_max3A_157 = vector.multi_reduction <maximumf>, %slice3A_155, %reduce_max3A_156 [1] : vector<256x8xf32> to vector<256xf32>
    %broadcast_in_dim3A_158 = vector.shape_cast %reduce_max3A_157 : vector<256xf32> to vector<256x1xf32>
    %eq3A_159 = vector.broadcast %broadcast_in_dim3A_158 : vector<256x1xf32> to vector<256x8xf32>
    %eq3A_160 = arith.cmpf oeq, %slice3A_155, %eq3A_159 : vector<256x8xf32>
    %jit3A_161 = arith.constant 8 : i32
    %broadcast_in_dim3A_162 = vector.broadcast %jit3A_161 : i32 to vector<256x8xi32>
    %select_n3A_163 = arith.select %eq3A_160, %iota3A, %broadcast_in_dim3A_162 : vector<256x8xi1>, vector<256x8xi32>
    %reduce_min3A_164 = arith.constant dense<2147483647> : vector<256xi32>
    %reduce_min3A_165 = vector.multi_reduction <minsi>, %select_n3A_163, %reduce_min3A_164 [1] : vector<256x8xi32> to vector<256xi32>
    %broadcast_in_dim3A_166 = vector.shape_cast %reduce_min3A_165 : vector<256xi32> to vector<256x1xi32>
    %eq3A_167 = vector.broadcast %broadcast_in_dim3A_166 : vector<256x1xi32> to vector<256x8xi32>
    %eq3A_168 = arith.cmpi eq, %iota3A, %eq3A_167 : vector<256x8xi32>
    %jit3A_169 = arith.constant 0xFF800000 : f32
    %broadcast_in_dim3A_170 = vector.broadcast %jit3A_169 : f32 to vector<256x8xf32>
    %select_n3A_171 = arith.select %eq3A_168, %broadcast_in_dim3A_170, %slice3A_155 : vector<256x8xi1>, vector<256x8xf32>
    %reduce_max3A_172 = arith.constant dense<0xFF800000> : vector<256xf32>
    %reduce_max3A_173 = vector.multi_reduction <maximumf>, %select_n3A_171, %reduce_max3A_172 [1] : vector<256x8xf32> to vector<256xf32>
    %broadcast_in_dim3A_174 = vector.shape_cast %reduce_max3A_173 : vector<256xf32> to vector<256x1xf32>
    %add3A_175 = arith.addf %broadcast_in_dim3A_158, %broadcast_in_dim3A_174 : vector<256x1xf32>
    %concatenate3A = tpu.concatenate %add3A_28, %add3A_49, %add3A_70, %add3A_91, %add3A_112, %add3A_133, %add3A_154, %add3A_175 in 1 : vector<256x1xf32>, vector<256x1xf32>, vector<256x1xf32>, vector<256x1xf32>, vector<256x1xf32>, vector<256x1xf32>, vector<256x1xf32>, vector<256x1xf32> -> vector<256x8xf32>
    %broadcast_in_dim3A_176 = arith.constant false
    %broadcast_in_dim3A_177 = vector.broadcast %broadcast_in_dim3A_176 : i1 to vector<256x8xi1>
    %reduce_max3A_178 = arith.constant dense<0xFF800000> : vector<256xf32>
    %reduce_max3A_179 = vector.multi_reduction <maximumf>, %concatenate3A, %reduce_max3A_178 [1] : vector<256x8xf32> to vector<256xf32>
    %broadcast_in_dim3A_180 = vector.shape_cast %reduce_max3A_179 : vector<256xf32> to vector<256x1xf32>
    %eq3A_181 = vector.broadcast %broadcast_in_dim3A_180 : vector<256x1xf32> to vector<256x8xf32>
    %eq3A_182 = arith.cmpf oeq, %concatenate3A, %eq3A_181 : vector<256x8xf32>
    %jit3A_183 = arith.constant 8 : i32
    %broadcast_in_dim3A_184 = vector.broadcast %jit3A_183 : i32 to vector<256x8xi32>
    %select_n3A_185 = arith.select %eq3A_182, %iota3A, %broadcast_in_dim3A_184 : vector<256x8xi1>, vector<256x8xi32>
    %reduce_min3A_186 = arith.constant dense<2147483647> : vector<256xi32>
    %reduce_min3A_187 = vector.multi_reduction <minsi>, %select_n3A_185, %reduce_min3A_186 [1] : vector<256x8xi32> to vector<256xi32>
    %broadcast_in_dim3A_188 = vector.shape_cast %reduce_min3A_187 : vector<256xi32> to vector<256x1xi32>
    %eq3A_189 = vector.broadcast %broadcast_in_dim3A_188 : vector<256x1xi32> to vector<256x8xi32>
    %eq3A_190 = arith.cmpi eq, %iota3A, %eq3A_189 : vector<256x8xi32>
    %or3A = arith.ori %broadcast_in_dim3A_177, %eq3A_190 : vector<256x8xi1>
    %eq3A_191 = vector.broadcast %broadcast_in_dim3A_188 : vector<256x1xi32> to vector<256x8xi32>
    %eq3A_192 = arith.cmpi eq, %iota3A, %eq3A_191 : vector<256x8xi32>
    %jit3A_193 = arith.constant 0xFF800000 : f32
    %broadcast_in_dim3A_194 = vector.broadcast %jit3A_193 : f32 to vector<256x8xf32>
    %select_n3A_195 = arith.select %eq3A_192, %broadcast_in_dim3A_194, %concatenate3A : vector<256x8xi1>, vector<256x8xf32>
    %reduce_max3A_196 = arith.constant dense<0xFF800000> : vector<256xf32>
    %reduce_max3A_197 = vector.multi_reduction <maximumf>, %select_n3A_195, %reduce_max3A_196 [1] : vector<256x8xf32> to vector<256xf32>
    %broadcast_in_dim3A_198 = vector.shape_cast %reduce_max3A_197 : vector<256xf32> to vector<256x1xf32>
    %eq3A_199 = vector.broadcast %broadcast_in_dim3A_198 : vector<256x1xf32> to vector<256x8xf32>
    %eq3A_200 = arith.cmpf oeq, %select_n3A_195, %eq3A_199 : vector<256x8xf32>
    %jit3A_201 = arith.constant 8 : i32
    %broadcast_in_dim3A_202 = vector.broadcast %jit3A_201 : i32 to vector<256x8xi32>
    %select_n3A_203 = arith.select %eq3A_200, %iota3A, %broadcast_in_dim3A_202 : vector<256x8xi1>, vector<256x8xi32>
    %reduce_min3A_204 = arith.constant dense<2147483647> : vector<256xi32>
    %reduce_min3A_205 = vector.multi_reduction <minsi>, %select_n3A_203, %reduce_min3A_204 [1] : vector<256x8xi32> to vector<256xi32>
    %broadcast_in_dim3A_206 = vector.shape_cast %reduce_min3A_205 : vector<256xi32> to vector<256x1xi32>
    %eq3A_207 = vector.broadcast %broadcast_in_dim3A_206 : vector<256x1xi32> to vector<256x8xi32>
    %eq3A_208 = arith.cmpi eq, %iota3A, %eq3A_207 : vector<256x8xi32>
    %or3A_209 = arith.ori %or3A, %eq3A_208 : vector<256x8xi1>
    %eq3A_210 = vector.broadcast %broadcast_in_dim3A_206 : vector<256x1xi32> to vector<256x8xi32>
    %eq3A_211 = arith.cmpi eq, %iota3A, %eq3A_210 : vector<256x8xi32>
    %jit3A_212 = arith.constant 0xFF800000 : f32
    %broadcast_in_dim3A_213 = vector.broadcast %jit3A_212 : f32 to vector<256x8xf32>
    %select_n3A_214 = arith.select %eq3A_211, %broadcast_in_dim3A_213, %select_n3A_195 : vector<256x8xi1>, vector<256x8xf32>
    %reduce_max3A_215 = arith.constant dense<0xFF800000> : vector<256xf32>
    %reduce_max3A_216 = vector.multi_reduction <maximumf>, %select_n3A_214, %reduce_max3A_215 [1] : vector<256x8xf32> to vector<256xf32>
    %broadcast_in_dim3A_217 = vector.shape_cast %reduce_max3A_216 : vector<256xf32> to vector<256x1xf32>
    %eq3A_218 = vector.broadcast %broadcast_in_dim3A_217 : vector<256x1xf32> to vector<256x8xf32>
    %eq3A_219 = arith.cmpf oeq, %select_n3A_214, %eq3A_218 : vector<256x8xf32>
    %jit3A_220 = arith.constant 8 : i32
    %broadcast_in_dim3A_221 = vector.broadcast %jit3A_220 : i32 to vector<256x8xi32>
    %select_n3A_222 = arith.select %eq3A_219, %iota3A, %broadcast_in_dim3A_221 : vector<256x8xi1>, vector<256x8xi32>
    %reduce_min3A_223 = arith.constant dense<2147483647> : vector<256xi32>
    %reduce_min3A_224 = vector.multi_reduction <minsi>, %select_n3A_222, %reduce_min3A_223 [1] : vector<256x8xi32> to vector<256xi32>
    %broadcast_in_dim3A_225 = vector.shape_cast %reduce_min3A_224 : vector<256xi32> to vector<256x1xi32>
    %eq3A_226 = vector.broadcast %broadcast_in_dim3A_225 : vector<256x1xi32> to vector<256x8xi32>
    %eq3A_227 = arith.cmpi eq, %iota3A, %eq3A_226 : vector<256x8xi32>
    %or3A_228 = arith.ori %or3A_209, %eq3A_227 : vector<256x8xi1>
    %eq3A_229 = vector.broadcast %broadcast_in_dim3A_225 : vector<256x1xi32> to vector<256x8xi32>
    %eq3A_230 = arith.cmpi eq, %iota3A, %eq3A_229 : vector<256x8xi32>
    %jit3A_231 = arith.constant 0xFF800000 : f32
    %broadcast_in_dim3A_232 = vector.broadcast %jit3A_231 : f32 to vector<256x8xf32>
    %select_n3A_233 = arith.select %eq3A_230, %broadcast_in_dim3A_232, %select_n3A_214 : vector<256x8xi1>, vector<256x8xf32>
    %reduce_max3A_234 = arith.constant dense<0xFF800000> : vector<256xf32>
    %reduce_max3A_235 = vector.multi_reduction <maximumf>, %select_n3A_233, %reduce_max3A_234 [1] : vector<256x8xf32> to vector<256xf32>
    %broadcast_in_dim3A_236 = vector.shape_cast %reduce_max3A_235 : vector<256xf32> to vector<256x1xf32>
    %eq3A_237 = vector.broadcast %broadcast_in_dim3A_236 : vector<256x1xf32> to vector<256x8xf32>
    %eq3A_238 = arith.cmpf oeq, %select_n3A_233, %eq3A_237 : vector<256x8xf32>
    %jit3A_239 = arith.constant 8 : i32
    %broadcast_in_dim3A_240 = vector.broadcast %jit3A_239 : i32 to vector<256x8xi32>
    %select_n3A_241 = arith.select %eq3A_238, %iota3A, %broadcast_in_dim3A_240 : vector<256x8xi1>, vector<256x8xi32>
    %reduce_min3A_242 = arith.constant dense<2147483647> : vector<256xi32>
    %reduce_min3A_243 = vector.multi_reduction <minsi>, %select_n3A_241, %reduce_min3A_242 [1] : vector<256x8xi32> to vector<256xi32>
    %broadcast_in_dim3A_244 = vector.shape_cast %reduce_min3A_243 : vector<256xi32> to vector<256x1xi32>
    %eq3A_245 = vector.broadcast %broadcast_in_dim3A_244 : vector<256x1xi32> to vector<256x8xi32>
    %eq3A_246 = arith.cmpi eq, %iota3A, %eq3A_245 : vector<256x8xi32>
    %or3A_247 = arith.ori %or3A_228, %eq3A_246 : vector<256x8xi1>
    %slice3A_248 = vector.extract_strided_slice %or3A_247 {offsets = [0, 0], sizes = [256, 1], strides = [1, 1]} : vector<256x8xi1> to vector<256x1xi1>
    %slice3A_249 = vector.extract_strided_slice %add3A_14 {offsets = [0, 0], sizes = [256, 8], strides = [1, 1]} : vector<256x64xf32> to vector<256x8xf32>
    %jit3A_250 = arith.constant 0.000000e+00 : f32
    %broadcast_in_dim3A_251 = vector.shape_cast %slice3A_248 : vector<256x1xi1> to vector<256x1xi1>
    %broadcast_in_dim3A_252 = vector.broadcast %broadcast_in_dim3A_251 : vector<256x1xi1> to vector<256x8xi1>
    %broadcast_in_dim3A_253 = vector.broadcast %jit3A_250 : f32 to vector<256x8xf32>
    %select_n3A_254 = arith.select %broadcast_in_dim3A_252, %slice3A_249, %broadcast_in_dim3A_253 : vector<256x8xi1>, vector<256x8xf32>
    %slice3A_255 = vector.extract_strided_slice %or3A_247 {offsets = [0, 1], sizes = [256, 1], strides = [1, 1]} : vector<256x8xi1> to vector<256x1xi1>
    %slice3A_256 = vector.extract_strided_slice %add3A_14 {offsets = [0, 8], sizes = [256, 8], strides = [1, 1]} : vector<256x64xf32> to vector<256x8xf32>
    %jit3A_257 = arith.constant 0.000000e+00 : f32
    %broadcast_in_dim3A_258 = vector.shape_cast %slice3A_255 : vector<256x1xi1> to vector<256x1xi1>
    %broadcast_in_dim3A_259 = vector.broadcast %broadcast_in_dim3A_258 : vector<256x1xi1> to vector<256x8xi1>
    %broadcast_in_dim3A_260 = vector.broadcast %jit3A_257 : f32 to vector<256x8xf32>
    %select_n3A_261 = arith.select %broadcast_in_dim3A_259, %slice3A_256, %broadcast_in_dim3A_260 : vector<256x8xi1>, vector<256x8xf32>
    %slice3A_262 = vector.extract_strided_slice %or3A_247 {offsets = [0, 2], sizes = [256, 1], strides = [1, 1]} : vector<256x8xi1> to vector<256x1xi1>
    %slice3A_263 = vector.extract_strided_slice %add3A_14 {offsets = [0, 16], sizes = [256, 8], strides = [1, 1]} : vector<256x64xf32> to vector<256x8xf32>
    %jit3A_264 = arith.constant 0.000000e+00 : f32
    %broadcast_in_dim3A_265 = vector.shape_cast %slice3A_262 : vector<256x1xi1> to vector<256x1xi1>
    %broadcast_in_dim3A_266 = vector.broadcast %broadcast_in_dim3A_265 : vector<256x1xi1> to vector<256x8xi1>
    %broadcast_in_dim3A_267 = vector.broadcast %jit3A_264 : f32 to vector<256x8xf32>
    %select_n3A_268 = arith.select %broadcast_in_dim3A_266, %slice3A_263, %broadcast_in_dim3A_267 : vector<256x8xi1>, vector<256x8xf32>
    %slice3A_269 = vector.extract_strided_slice %or3A_247 {offsets = [0, 3], sizes = [256, 1], strides = [1, 1]} : vector<256x8xi1> to vector<256x1xi1>
    %slice3A_270 = vector.extract_strided_slice %add3A_14 {offsets = [0, 24], sizes = [256, 8], strides = [1, 1]} : vector<256x64xf32> to vector<256x8xf32>
    %jit3A_271 = arith.constant 0.000000e+00 : f32
    %broadcast_in_dim3A_272 = vector.shape_cast %slice3A_269 : vector<256x1xi1> to vector<256x1xi1>
    %broadcast_in_dim3A_273 = vector.broadcast %broadcast_in_dim3A_272 : vector<256x1xi1> to vector<256x8xi1>
    %broadcast_in_dim3A_274 = vector.broadcast %jit3A_271 : f32 to vector<256x8xf32>
    %select_n3A_275 = arith.select %broadcast_in_dim3A_273, %slice3A_270, %broadcast_in_dim3A_274 : vector<256x8xi1>, vector<256x8xf32>
    %slice3A_276 = vector.extract_strided_slice %or3A_247 {offsets = [0, 4], sizes = [256, 1], strides = [1, 1]} : vector<256x8xi1> to vector<256x1xi1>
    %slice3A_277 = vector.extract_strided_slice %add3A_14 {offsets = [0, 32], sizes = [256, 8], strides = [1, 1]} : vector<256x64xf32> to vector<256x8xf32>
    %jit3A_278 = arith.constant 0.000000e+00 : f32
    %broadcast_in_dim3A_279 = vector.shape_cast %slice3A_276 : vector<256x1xi1> to vector<256x1xi1>
    %broadcast_in_dim3A_280 = vector.broadcast %broadcast_in_dim3A_279 : vector<256x1xi1> to vector<256x8xi1>
    %broadcast_in_dim3A_281 = vector.broadcast %jit3A_278 : f32 to vector<256x8xf32>
    %select_n3A_282 = arith.select %broadcast_in_dim3A_280, %slice3A_277, %broadcast_in_dim3A_281 : vector<256x8xi1>, vector<256x8xf32>
    %slice3A_283 = vector.extract_strided_slice %or3A_247 {offsets = [0, 5], sizes = [256, 1], strides = [1, 1]} : vector<256x8xi1> to vector<256x1xi1>
    %slice3A_284 = vector.extract_strided_slice %add3A_14 {offsets = [0, 40], sizes = [256, 8], strides = [1, 1]} : vector<256x64xf32> to vector<256x8xf32>
    %jit3A_285 = arith.constant 0.000000e+00 : f32
    %broadcast_in_dim3A_286 = vector.shape_cast %slice3A_283 : vector<256x1xi1> to vector<256x1xi1>
    %broadcast_in_dim3A_287 = vector.broadcast %broadcast_in_dim3A_286 : vector<256x1xi1> to vector<256x8xi1>
    %broadcast_in_dim3A_288 = vector.broadcast %jit3A_285 : f32 to vector<256x8xf32>
    %select_n3A_289 = arith.select %broadcast_in_dim3A_287, %slice3A_284, %broadcast_in_dim3A_288 : vector<256x8xi1>, vector<256x8xf32>
    %slice3A_290 = vector.extract_strided_slice %or3A_247 {offsets = [0, 6], sizes = [256, 1], strides = [1, 1]} : vector<256x8xi1> to vector<256x1xi1>
    %slice3A_291 = vector.extract_strided_slice %add3A_14 {offsets = [0, 48], sizes = [256, 8], strides = [1, 1]} : vector<256x64xf32> to vector<256x8xf32>
    %jit3A_292 = arith.constant 0.000000e+00 : f32
    %broadcast_in_dim3A_293 = vector.shape_cast %slice3A_290 : vector<256x1xi1> to vector<256x1xi1>
    %broadcast_in_dim3A_294 = vector.broadcast %broadcast_in_dim3A_293 : vector<256x1xi1> to vector<256x8xi1>
    %broadcast_in_dim3A_295 = vector.broadcast %jit3A_292 : f32 to vector<256x8xf32>
    %select_n3A_296 = arith.select %broadcast_in_dim3A_294, %slice3A_291, %broadcast_in_dim3A_295 : vector<256x8xi1>, vector<256x8xf32>
    %slice3A_297 = vector.extract_strided_slice %or3A_247 {offsets = [0, 7], sizes = [256, 1], strides = [1, 1]} : vector<256x8xi1> to vector<256x1xi1>
    %slice3A_298 = vector.extract_strided_slice %add3A_14 {offsets = [0, 56], sizes = [256, 8], strides = [1, 1]} : vector<256x64xf32> to vector<256x8xf32>
    %jit3A_299 = arith.constant 0.000000e+00 : f32
    %broadcast_in_dim3A_300 = vector.shape_cast %slice3A_297 : vector<256x1xi1> to vector<256x1xi1>
    %broadcast_in_dim3A_301 = vector.broadcast %broadcast_in_dim3A_300 : vector<256x1xi1> to vector<256x8xi1>
    %broadcast_in_dim3A_302 = vector.broadcast %jit3A_299 : f32 to vector<256x8xf32>
    %select_n3A_303 = arith.select %broadcast_in_dim3A_301, %slice3A_298, %broadcast_in_dim3A_302 : vector<256x8xi1>, vector<256x8xf32>
    %concatenate3A_304 = tpu.concatenate %select_n3A_254, %select_n3A_261, %select_n3A_268, %select_n3A_275, %select_n3A_282, %select_n3A_289, %select_n3A_296, %select_n3A_303 in 1 : vector<256x8xf32>, vector<256x8xf32>, vector<256x8xf32>, vector<256x8xf32>, vector<256x8xf32>, vector<256x8xf32>, vector<256x8xf32>, vector<256x8xf32> -> vector<256x64xf32>
    %iota3A_305 = tpu.iota {dimensions = array<i32: 1>} : vector<256x64xi32>
    %reduce_max3A_306 = arith.constant dense<0xFF800000> : vector<256xf32>
    %reduce_max3A_307 = vector.multi_reduction <maximumf>, %concatenate3A_304, %reduce_max3A_306 [1] : vector<256x64xf32> to vector<256xf32>
    %broadcast_in_dim3A_308 = vector.shape_cast %reduce_max3A_307 : vector<256xf32> to vector<256x1xf32>
    %eq3A_309 = vector.broadcast %broadcast_in_dim3A_308 : vector<256x1xf32> to vector<256x64xf32>
    %eq3A_310 = arith.cmpf oeq, %concatenate3A_304, %eq3A_309 : vector<256x64xf32>
    %jit3A_311 = arith.constant 64 : i32
    %broadcast_in_dim3A_312 = vector.broadcast %jit3A_311 : i32 to vector<256x64xi32>
    %select_n3A_313 = arith.select %eq3A_310, %iota3A_305, %broadcast_in_dim3A_312 : vector<256x64xi1>, vector<256x64xi32>
    %reduce_min3A_314 = arith.constant dense<2147483647> : vector<256xi32>
    %reduce_min3A_315 = vector.multi_reduction <minsi>, %select_n3A_313, %reduce_min3A_314 [1] : vector<256x64xi32> to vector<256xi32>
    %broadcast_in_dim3A_316 = vector.shape_cast %reduce_min3A_315 : vector<256xi32> to vector<256x1xi32>
    %eq3A_317 = vector.broadcast %broadcast_in_dim3A_316 : vector<256x1xi32> to vector<256x64xi32>
    %eq3A_318 = arith.cmpi eq, %iota3A_305, %eq3A_317 : vector<256x64xi32>
    %jit3A_319 = arith.constant 0.000000e+00 : f32
    %broadcast_in_dim3A_320 = vector.broadcast %jit3A_319 : f32 to vector<256x64xf32>
    %select_n3A_321 = arith.select %eq3A_318, %logistic3A_10, %broadcast_in_dim3A_320 : vector<256x64xi1>, vector<256x64xf32>
    %reduce_sum3A = arith.constant dense<0.000000e+00> : vector<256xf32>
    %reduce_sum3A_322 = vector.multi_reduction <add>, %select_n3A_321, %reduce_sum3A [1] : vector<256x64xf32> to vector<256xf32>
    %broadcast_in_dim3A_323 = vector.shape_cast %reduce_sum3A_322 : vector<256xf32> to vector<256x1xf32>
    %eq3A_324 = vector.broadcast %broadcast_in_dim3A_316 : vector<256x1xi32> to vector<256x64xi32>
    %eq3A_325 = arith.cmpi eq, %iota3A_305, %eq3A_324 : vector<256x64xi32>
    %jit3A_326 = arith.constant -1.000000e+00 : f32
    %broadcast_in_dim3A_327 = vector.broadcast %jit3A_326 : f32 to vector<256x64xf32>
    %select_n3A_328 = arith.select %eq3A_325, %broadcast_in_dim3A_327, %concatenate3A_304 : vector<256x64xi1>, vector<256x64xf32>
    %reduce_max3A_329 = arith.constant dense<0xFF800000> : vector<256xf32>
    %reduce_max3A_330 = vector.multi_reduction <maximumf>, %select_n3A_328, %reduce_max3A_329 [1] : vector<256x64xf32> to vector<256xf32>
    %broadcast_in_dim3A_331 = vector.shape_cast %reduce_max3A_330 : vector<256xf32> to vector<256x1xf32>
    %eq3A_332 = vector.broadcast %broadcast_in_dim3A_331 : vector<256x1xf32> to vector<256x64xf32>
    %eq3A_333 = arith.cmpf oeq, %select_n3A_328, %eq3A_332 : vector<256x64xf32>
    %jit3A_334 = arith.constant 64 : i32
    %broadcast_in_dim3A_335 = vector.broadcast %jit3A_334 : i32 to vector<256x64xi32>
    %select_n3A_336 = arith.select %eq3A_333, %iota3A_305, %broadcast_in_dim3A_335 : vector<256x64xi1>, vector<256x64xi32>
    %reduce_min3A_337 = arith.constant dense<2147483647> : vector<256xi32>
    %reduce_min3A_338 = vector.multi_reduction <minsi>, %select_n3A_336, %reduce_min3A_337 [1] : vector<256x64xi32> to vector<256xi32>
    %broadcast_in_dim3A_339 = vector.shape_cast %reduce_min3A_338 : vector<256xi32> to vector<256x1xi32>
    %eq3A_340 = vector.broadcast %broadcast_in_dim3A_339 : vector<256x1xi32> to vector<256x64xi32>
    %eq3A_341 = arith.cmpi eq, %iota3A_305, %eq3A_340 : vector<256x64xi32>
    %jit3A_342 = arith.constant 0.000000e+00 : f32
    %broadcast_in_dim3A_343 = vector.broadcast %jit3A_342 : f32 to vector<256x64xf32>
    %select_n3A_344 = arith.select %eq3A_341, %logistic3A_10, %broadcast_in_dim3A_343 : vector<256x64xi1>, vector<256x64xf32>
    %reduce_sum3A_345 = arith.constant dense<0.000000e+00> : vector<256xf32>
    %reduce_sum3A_346 = vector.multi_reduction <add>, %select_n3A_344, %reduce_sum3A_345 [1] : vector<256x64xf32> to vector<256xf32>
    %broadcast_in_dim3A_347 = vector.shape_cast %reduce_sum3A_346 : vector<256xf32> to vector<256x1xf32>
    %eq3A_348 = vector.broadcast %broadcast_in_dim3A_339 : vector<256x1xi32> to vector<256x64xi32>
    %eq3A_349 = arith.cmpi eq, %iota3A_305, %eq3A_348 : vector<256x64xi32>
    %jit3A_350 = arith.constant -1.000000e+00 : f32
    %broadcast_in_dim3A_351 = vector.broadcast %jit3A_350 : f32 to vector<256x64xf32>
    %select_n3A_352 = arith.select %eq3A_349, %broadcast_in_dim3A_351, %select_n3A_328 : vector<256x64xi1>, vector<256x64xf32>
    %reduce_max3A_353 = arith.constant dense<0xFF800000> : vector<256xf32>
    %reduce_max3A_354 = vector.multi_reduction <maximumf>, %select_n3A_352, %reduce_max3A_353 [1] : vector<256x64xf32> to vector<256xf32>
    %broadcast_in_dim3A_355 = vector.shape_cast %reduce_max3A_354 : vector<256xf32> to vector<256x1xf32>
    %eq3A_356 = vector.broadcast %broadcast_in_dim3A_355 : vector<256x1xf32> to vector<256x64xf32>
    %eq3A_357 = arith.cmpf oeq, %select_n3A_352, %eq3A_356 : vector<256x64xf32>
    %jit3A_358 = arith.constant 64 : i32
    %broadcast_in_dim3A_359 = vector.broadcast %jit3A_358 : i32 to vector<256x64xi32>
    %select_n3A_360 = arith.select %eq3A_357, %iota3A_305, %broadcast_in_dim3A_359 : vector<256x64xi1>, vector<256x64xi32>
    %reduce_min3A_361 = arith.constant dense<2147483647> : vector<256xi32>
    %reduce_min3A_362 = vector.multi_reduction <minsi>, %select_n3A_360, %reduce_min3A_361 [1] : vector<256x64xi32> to vector<256xi32>
    %broadcast_in_dim3A_363 = vector.shape_cast %reduce_min3A_362 : vector<256xi32> to vector<256x1xi32>
    %eq3A_364 = vector.broadcast %broadcast_in_dim3A_363 : vector<256x1xi32> to vector<256x64xi32>
    %eq3A_365 = arith.cmpi eq, %iota3A_305, %eq3A_364 : vector<256x64xi32>
    %jit3A_366 = arith.constant 0.000000e+00 : f32
    %broadcast_in_dim3A_367 = vector.broadcast %jit3A_366 : f32 to vector<256x64xf32>
    %select_n3A_368 = arith.select %eq3A_365, %logistic3A_10, %broadcast_in_dim3A_367 : vector<256x64xi1>, vector<256x64xf32>
    %reduce_sum3A_369 = arith.constant dense<0.000000e+00> : vector<256xf32>
    %reduce_sum3A_370 = vector.multi_reduction <add>, %select_n3A_368, %reduce_sum3A_369 [1] : vector<256x64xf32> to vector<256xf32>
    %broadcast_in_dim3A_371 = vector.shape_cast %reduce_sum3A_370 : vector<256xf32> to vector<256x1xf32>
    %eq3A_372 = vector.broadcast %broadcast_in_dim3A_363 : vector<256x1xi32> to vector<256x64xi32>
    %eq3A_373 = arith.cmpi eq, %iota3A_305, %eq3A_372 : vector<256x64xi32>
    %jit3A_374 = arith.constant -1.000000e+00 : f32
    %broadcast_in_dim3A_375 = vector.broadcast %jit3A_374 : f32 to vector<256x64xf32>
    %select_n3A_376 = arith.select %eq3A_373, %broadcast_in_dim3A_375, %select_n3A_352 : vector<256x64xi1>, vector<256x64xf32>
    %reduce_max3A_377 = arith.constant dense<0xFF800000> : vector<256xf32>
    %reduce_max3A_378 = vector.multi_reduction <maximumf>, %select_n3A_376, %reduce_max3A_377 [1] : vector<256x64xf32> to vector<256xf32>
    %broadcast_in_dim3A_379 = vector.shape_cast %reduce_max3A_378 : vector<256xf32> to vector<256x1xf32>
    %eq3A_380 = vector.broadcast %broadcast_in_dim3A_379 : vector<256x1xf32> to vector<256x64xf32>
    %eq3A_381 = arith.cmpf oeq, %select_n3A_376, %eq3A_380 : vector<256x64xf32>
    %jit3A_382 = arith.constant 64 : i32
    %broadcast_in_dim3A_383 = vector.broadcast %jit3A_382 : i32 to vector<256x64xi32>
    %select_n3A_384 = arith.select %eq3A_381, %iota3A_305, %broadcast_in_dim3A_383 : vector<256x64xi1>, vector<256x64xi32>
    %reduce_min3A_385 = arith.constant dense<2147483647> : vector<256xi32>
    %reduce_min3A_386 = vector.multi_reduction <minsi>, %select_n3A_384, %reduce_min3A_385 [1] : vector<256x64xi32> to vector<256xi32>
    %broadcast_in_dim3A_387 = vector.shape_cast %reduce_min3A_386 : vector<256xi32> to vector<256x1xi32>
    %eq3A_388 = vector.broadcast %broadcast_in_dim3A_387 : vector<256x1xi32> to vector<256x64xi32>
    %eq3A_389 = arith.cmpi eq, %iota3A_305, %eq3A_388 : vector<256x64xi32>
    %jit3A_390 = arith.constant 0.000000e+00 : f32
    %broadcast_in_dim3A_391 = vector.broadcast %jit3A_390 : f32 to vector<256x64xf32>
    %select_n3A_392 = arith.select %eq3A_389, %logistic3A_10, %broadcast_in_dim3A_391 : vector<256x64xi1>, vector<256x64xf32>
    %reduce_sum3A_393 = arith.constant dense<0.000000e+00> : vector<256xf32>
    %reduce_sum3A_394 = vector.multi_reduction <add>, %select_n3A_392, %reduce_sum3A_393 [1] : vector<256x64xf32> to vector<256xf32>
    %broadcast_in_dim3A_395 = vector.shape_cast %reduce_sum3A_394 : vector<256xf32> to vector<256x1xf32>
    %eq3A_396 = vector.broadcast %broadcast_in_dim3A_387 : vector<256x1xi32> to vector<256x64xi32>
    %eq3A_397 = arith.cmpi eq, %iota3A_305, %eq3A_396 : vector<256x64xi32>
    %jit3A_398 = arith.constant -1.000000e+00 : f32
    %broadcast_in_dim3A_399 = vector.broadcast %jit3A_398 : f32 to vector<256x64xf32>
    %select_n3A_400 = arith.select %eq3A_397, %broadcast_in_dim3A_399, %select_n3A_376 : vector<256x64xi1>, vector<256x64xf32>
    %reduce_max3A_401 = arith.constant dense<0xFF800000> : vector<256xf32>
    %reduce_max3A_402 = vector.multi_reduction <maximumf>, %select_n3A_400, %reduce_max3A_401 [1] : vector<256x64xf32> to vector<256xf32>
    %broadcast_in_dim3A_403 = vector.shape_cast %reduce_max3A_402 : vector<256xf32> to vector<256x1xf32>
    %eq3A_404 = vector.broadcast %broadcast_in_dim3A_403 : vector<256x1xf32> to vector<256x64xf32>
    %eq3A_405 = arith.cmpf oeq, %select_n3A_400, %eq3A_404 : vector<256x64xf32>
    %jit3A_406 = arith.constant 64 : i32
    %broadcast_in_dim3A_407 = vector.broadcast %jit3A_406 : i32 to vector<256x64xi32>
    %select_n3A_408 = arith.select %eq3A_405, %iota3A_305, %broadcast_in_dim3A_407 : vector<256x64xi1>, vector<256x64xi32>
    %reduce_min3A_409 = arith.constant dense<2147483647> : vector<256xi32>
    %reduce_min3A_410 = vector.multi_reduction <minsi>, %select_n3A_408, %reduce_min3A_409 [1] : vector<256x64xi32> to vector<256xi32>
    %broadcast_in_dim3A_411 = vector.shape_cast %reduce_min3A_410 : vector<256xi32> to vector<256x1xi32>
    %eq3A_412 = vector.broadcast %broadcast_in_dim3A_411 : vector<256x1xi32> to vector<256x64xi32>
    %eq3A_413 = arith.cmpi eq, %iota3A_305, %eq3A_412 : vector<256x64xi32>
    %jit3A_414 = arith.constant 0.000000e+00 : f32
    %broadcast_in_dim3A_415 = vector.broadcast %jit3A_414 : f32 to vector<256x64xf32>
    %select_n3A_416 = arith.select %eq3A_413, %logistic3A_10, %broadcast_in_dim3A_415 : vector<256x64xi1>, vector<256x64xf32>
    %reduce_sum3A_417 = arith.constant dense<0.000000e+00> : vector<256xf32>
    %reduce_sum3A_418 = vector.multi_reduction <add>, %select_n3A_416, %reduce_sum3A_417 [1] : vector<256x64xf32> to vector<256xf32>
    %broadcast_in_dim3A_419 = vector.shape_cast %reduce_sum3A_418 : vector<256xf32> to vector<256x1xf32>
    %eq3A_420 = vector.broadcast %broadcast_in_dim3A_411 : vector<256x1xi32> to vector<256x64xi32>
    %eq3A_421 = arith.cmpi eq, %iota3A_305, %eq3A_420 : vector<256x64xi32>
    %jit3A_422 = arith.constant -1.000000e+00 : f32
    %broadcast_in_dim3A_423 = vector.broadcast %jit3A_422 : f32 to vector<256x64xf32>
    %select_n3A_424 = arith.select %eq3A_421, %broadcast_in_dim3A_423, %select_n3A_400 : vector<256x64xi1>, vector<256x64xf32>
    %reduce_max3A_425 = arith.constant dense<0xFF800000> : vector<256xf32>
    %reduce_max3A_426 = vector.multi_reduction <maximumf>, %select_n3A_424, %reduce_max3A_425 [1] : vector<256x64xf32> to vector<256xf32>
    %broadcast_in_dim3A_427 = vector.shape_cast %reduce_max3A_426 : vector<256xf32> to vector<256x1xf32>
    %eq3A_428 = vector.broadcast %broadcast_in_dim3A_427 : vector<256x1xf32> to vector<256x64xf32>
    %eq3A_429 = arith.cmpf oeq, %select_n3A_424, %eq3A_428 : vector<256x64xf32>
    %jit3A_430 = arith.constant 64 : i32
    %broadcast_in_dim3A_431 = vector.broadcast %jit3A_430 : i32 to vector<256x64xi32>
    %select_n3A_432 = arith.select %eq3A_429, %iota3A_305, %broadcast_in_dim3A_431 : vector<256x64xi1>, vector<256x64xi32>
    %reduce_min3A_433 = arith.constant dense<2147483647> : vector<256xi32>
    %reduce_min3A_434 = vector.multi_reduction <minsi>, %select_n3A_432, %reduce_min3A_433 [1] : vector<256x64xi32> to vector<256xi32>
    %broadcast_in_dim3A_435 = vector.shape_cast %reduce_min3A_434 : vector<256xi32> to vector<256x1xi32>
    %eq3A_436 = vector.broadcast %broadcast_in_dim3A_435 : vector<256x1xi32> to vector<256x64xi32>
    %eq3A_437 = arith.cmpi eq, %iota3A_305, %eq3A_436 : vector<256x64xi32>
    %jit3A_438 = arith.constant 0.000000e+00 : f32
    %broadcast_in_dim3A_439 = vector.broadcast %jit3A_438 : f32 to vector<256x64xf32>
    %select_n3A_440 = arith.select %eq3A_437, %logistic3A_10, %broadcast_in_dim3A_439 : vector<256x64xi1>, vector<256x64xf32>
    %reduce_sum3A_441 = arith.constant dense<0.000000e+00> : vector<256xf32>
    %reduce_sum3A_442 = vector.multi_reduction <add>, %select_n3A_440, %reduce_sum3A_441 [1] : vector<256x64xf32> to vector<256xf32>
    %broadcast_in_dim3A_443 = vector.shape_cast %reduce_sum3A_442 : vector<256xf32> to vector<256x1xf32>
    %eq3A_444 = vector.broadcast %broadcast_in_dim3A_435 : vector<256x1xi32> to vector<256x64xi32>
    %eq3A_445 = arith.cmpi eq, %iota3A_305, %eq3A_444 : vector<256x64xi32>
    %jit3A_446 = arith.constant -1.000000e+00 : f32
    %broadcast_in_dim3A_447 = vector.broadcast %jit3A_446 : f32 to vector<256x64xf32>
    %select_n3A_448 = arith.select %eq3A_445, %broadcast_in_dim3A_447, %select_n3A_424 : vector<256x64xi1>, vector<256x64xf32>
    %reduce_max3A_449 = arith.constant dense<0xFF800000> : vector<256xf32>
    %reduce_max3A_450 = vector.multi_reduction <maximumf>, %select_n3A_448, %reduce_max3A_449 [1] : vector<256x64xf32> to vector<256xf32>
    %broadcast_in_dim3A_451 = vector.shape_cast %reduce_max3A_450 : vector<256xf32> to vector<256x1xf32>
    %eq3A_452 = vector.broadcast %broadcast_in_dim3A_451 : vector<256x1xf32> to vector<256x64xf32>
    %eq3A_453 = arith.cmpf oeq, %select_n3A_448, %eq3A_452 : vector<256x64xf32>
    %jit3A_454 = arith.constant 64 : i32
    %broadcast_in_dim3A_455 = vector.broadcast %jit3A_454 : i32 to vector<256x64xi32>
    %select_n3A_456 = arith.select %eq3A_453, %iota3A_305, %broadcast_in_dim3A_455 : vector<256x64xi1>, vector<256x64xi32>
    %reduce_min3A_457 = arith.constant dense<2147483647> : vector<256xi32>
    %reduce_min3A_458 = vector.multi_reduction <minsi>, %select_n3A_456, %reduce_min3A_457 [1] : vector<256x64xi32> to vector<256xi32>
    %broadcast_in_dim3A_459 = vector.shape_cast %reduce_min3A_458 : vector<256xi32> to vector<256x1xi32>
    %eq3A_460 = vector.broadcast %broadcast_in_dim3A_459 : vector<256x1xi32> to vector<256x64xi32>
    %eq3A_461 = arith.cmpi eq, %iota3A_305, %eq3A_460 : vector<256x64xi32>
    %jit3A_462 = arith.constant 0.000000e+00 : f32
    %broadcast_in_dim3A_463 = vector.broadcast %jit3A_462 : f32 to vector<256x64xf32>
    %select_n3A_464 = arith.select %eq3A_461, %logistic3A_10, %broadcast_in_dim3A_463 : vector<256x64xi1>, vector<256x64xf32>
    %reduce_sum3A_465 = arith.constant dense<0.000000e+00> : vector<256xf32>
    %reduce_sum3A_466 = vector.multi_reduction <add>, %select_n3A_464, %reduce_sum3A_465 [1] : vector<256x64xf32> to vector<256xf32>
    %broadcast_in_dim3A_467 = vector.shape_cast %reduce_sum3A_466 : vector<256xf32> to vector<256x1xf32>
    %eq3A_468 = vector.broadcast %broadcast_in_dim3A_459 : vector<256x1xi32> to vector<256x64xi32>
    %eq3A_469 = arith.cmpi eq, %iota3A_305, %eq3A_468 : vector<256x64xi32>
    %jit3A_470 = arith.constant -1.000000e+00 : f32
    %broadcast_in_dim3A_471 = vector.broadcast %jit3A_470 : f32 to vector<256x64xf32>
    %select_n3A_472 = arith.select %eq3A_469, %broadcast_in_dim3A_471, %select_n3A_448 : vector<256x64xi1>, vector<256x64xf32>
    %reduce_max3A_473 = arith.constant dense<0xFF800000> : vector<256xf32>
    %reduce_max3A_474 = vector.multi_reduction <maximumf>, %select_n3A_472, %reduce_max3A_473 [1] : vector<256x64xf32> to vector<256xf32>
    %broadcast_in_dim3A_475 = vector.shape_cast %reduce_max3A_474 : vector<256xf32> to vector<256x1xf32>
    %eq3A_476 = vector.broadcast %broadcast_in_dim3A_475 : vector<256x1xf32> to vector<256x64xf32>
    %eq3A_477 = arith.cmpf oeq, %select_n3A_472, %eq3A_476 : vector<256x64xf32>
    %jit3A_478 = arith.constant 64 : i32
    %broadcast_in_dim3A_479 = vector.broadcast %jit3A_478 : i32 to vector<256x64xi32>
    %select_n3A_480 = arith.select %eq3A_477, %iota3A_305, %broadcast_in_dim3A_479 : vector<256x64xi1>, vector<256x64xi32>
    %reduce_min3A_481 = arith.constant dense<2147483647> : vector<256xi32>
    %reduce_min3A_482 = vector.multi_reduction <minsi>, %select_n3A_480, %reduce_min3A_481 [1] : vector<256x64xi32> to vector<256xi32>
    %broadcast_in_dim3A_483 = vector.shape_cast %reduce_min3A_482 : vector<256xi32> to vector<256x1xi32>
    %eq3A_484 = vector.broadcast %broadcast_in_dim3A_483 : vector<256x1xi32> to vector<256x64xi32>
    %eq3A_485 = arith.cmpi eq, %iota3A_305, %eq3A_484 : vector<256x64xi32>
    %jit3A_486 = arith.constant 0.000000e+00 : f32
    %broadcast_in_dim3A_487 = vector.broadcast %jit3A_486 : f32 to vector<256x64xf32>
    %select_n3A_488 = arith.select %eq3A_485, %logistic3A_10, %broadcast_in_dim3A_487 : vector<256x64xi1>, vector<256x64xf32>
    %reduce_sum3A_489 = arith.constant dense<0.000000e+00> : vector<256xf32>
    %reduce_sum3A_490 = vector.multi_reduction <add>, %select_n3A_488, %reduce_sum3A_489 [1] : vector<256x64xf32> to vector<256xf32>
    %broadcast_in_dim3A_491 = vector.shape_cast %reduce_sum3A_490 : vector<256xf32> to vector<256x1xf32>
    %concatenate3A_492 = tpu.concatenate %broadcast_in_dim3A_316, %broadcast_in_dim3A_339, %broadcast_in_dim3A_363, %broadcast_in_dim3A_387, %broadcast_in_dim3A_411, %broadcast_in_dim3A_435, %broadcast_in_dim3A_459, %broadcast_in_dim3A_483 in 1 : vector<256x1xi32>, vector<256x1xi32>, vector<256x1xi32>, vector<256x1xi32>, vector<256x1xi32>, vector<256x1xi32>, vector<256x1xi32>, vector<256x1xi32> -> vector<256x8xi32>
    %concatenate3A_493 = tpu.concatenate %broadcast_in_dim3A_323, %broadcast_in_dim3A_347, %broadcast_in_dim3A_371, %broadcast_in_dim3A_395, %broadcast_in_dim3A_419, %broadcast_in_dim3A_443, %broadcast_in_dim3A_467, %broadcast_in_dim3A_491 in 1 : vector<256x1xf32>, vector<256x1xf32>, vector<256x1xf32>, vector<256x1xf32>, vector<256x1xf32>, vector<256x1xf32>, vector<256x1xf32>, vector<256x1xf32> -> vector<256x8xf32>
    %mul3A = arith.constant 2.500000e+00 : f32
    %mul3A_494 = vector.broadcast %mul3A : f32 to vector<256x8xf32>
    %mul3A_495 = arith.mulf %mul3A_494, %concatenate3A_493 : vector<256x8xf32>
    %reduce_sum3A_496 = arith.constant dense<0.000000e+00> : vector<256xf32>
    %reduce_sum3A_497 = vector.multi_reduction <add>, %concatenate3A_493, %reduce_sum3A_496 [1] : vector<256x8xf32> to vector<256xf32>
    %broadcast_in_dim3A_498 = vector.shape_cast %reduce_sum3A_497 : vector<256xf32> to vector<256x1xf32>
    %add3A_499 = arith.constant 9.99999968E-21 : f32
    %add3A_500 = vector.broadcast %add3A_499 : f32 to vector<256x1xf32>
    %add3A_501 = arith.addf %broadcast_in_dim3A_498, %add3A_500 : vector<256x1xf32>
    %div3A = vector.broadcast %add3A_501 : vector<256x1xf32> to vector<256x8xf32>
    %div3A_502 = arith.divf %mul3A_495, %div3A : vector<256x8xf32>
    %swap3A = arith.constant 0 : index
    %swap3A_503 = arith.constant 0 : index
    %swap3A_504 = vector.load %arg7[%swap3A, %swap3A_503] : memref<256x8xi32, #tpu.memory_space<vmem>>, vector<256x8xi32>
    tpu.vector_store %arg7[%swap3A, %swap3A_503], %concatenate3A_492 {strides = array<i32>} : memref<256x8xi32, #tpu.memory_space<vmem>>, vector<256x8xi32>,
    %swap3A_505 = arith.constant 0 : index
    %swap3A_506 = arith.constant 0 : index
    %swap3A_507 = vector.load %arg8[%swap3A_505, %swap3A_506] : memref<256x8xf32, #tpu.memory_space<vmem>>, vector<256x8xf32>
    tpu.vector_store %arg8[%swap3A_505, %swap3A_506], %div3A_502 {strides = array<i32>} : memref<256x8xf32, #tpu.memory_space<vmem>>, vector<256x8xf32>,
    %get3A_508 = arith.constant 0 : index
    %get3A_509 = arith.constant 0 : index
    %get3A_510 = vector.load %arg4[%get3A_508, %get3A_509] : memref<1024x512xf32, #tpu.memory_space<vmem>>, vector<1024x512xf32>
    %dot_general3A_511 = arith.constant dense<0.000000e+00> : vector<256x512xf32>
    %dot_general3A_512 = tpu.matmul %get3A_1, %get3A_510, %dot_general3A_511 {dimension_numbers = #tpu.dot_dimension_numbers<[1], [0], [0], [1], [0, 0, 1, 1], [], []>, transpose_lhs_hint = false} : vector<256x1024xf32>, vector<1024x512xf32>, vector<256x512xf32> -> vector<256x512xf32>
    %get3A_513 = arith.constant 0 : index
    %get3A_514 = arith.constant 0 : index
    %get3A_515 = vector.load %arg5[%get3A_513, %get3A_514] : memref<1024x512xf32, #tpu.memory_space<vmem>>, vector<1024x512xf32>
    %dot_general3A_516 = arith.constant dense<0.000000e+00> : vector<256x512xf32>
    %dot_general3A_517 = tpu.matmul %get3A_1, %get3A_515, %dot_general3A_516 {dimension_numbers = #tpu.dot_dimension_numbers<[1], [0], [0], [1], [0, 0, 1, 1], [], []>, transpose_lhs_hint = false} : vector<256x1024xf32>, vector<1024x512xf32>, vector<256x512xf32> -> vector<256x512xf32>
    %logistic3A_518 = arith.negf %dot_general3A_512 : vector<256x512xf32>
    %logistic3A_519 = math.exp %logistic3A_518 : vector<256x512xf32>
    %logistic3A_520 = arith.constant 1.000000e+00 : f32
    %logistic3A_521 = vector.broadcast %logistic3A_520 : f32 to vector<256x512xf32>
    %logistic3A_522 = arith.addf %logistic3A_521, %logistic3A_519 : vector<256x512xf32>
    %logistic3A_523 = arith.divf %logistic3A_521, %logistic3A_522 : vector<256x512xf32>
    %mul3A_524 = arith.mulf %dot_general3A_512, %logistic3A_523 : vector<256x512xf32>
    %mul3A_525 = arith.mulf %mul3A_524, %dot_general3A_517 : vector<256x512xf32>
    %get3A_526 = arith.constant 0 : index
    %get3A_527 = arith.constant 0 : index
    %get3A_528 = vector.load %arg6[%get3A_526, %get3A_527] : memref<512x1024xf32, #tpu.memory_space<vmem>>, vector<512x1024xf32>
    %dot_general3A_529 = arith.constant dense<0.000000e+00> : vector<256x1024xf32>
    %dot_general3A_530 = tpu.matmul %mul3A_525, %get3A_528, %dot_general3A_529 {dimension_numbers = #tpu.dot_dimension_numbers<[1], [0], [0], [1], [0, 0, 1, 1], [], []>, transpose_lhs_hint = false} : vector<256x512xf32>, vector<512x1024xf32>, vector<256x1024xf32> -> vector<256x1024xf32>
    %swap3A_531 = arith.constant 0 : index
    %swap3A_532 = arith.constant 0 : index
    %swap3A_533 = vector.load %arg9[%swap3A_531, %swap3A_532] : memref<256x1024xf32, #tpu.memory_space<vmem>>, vector<256x1024xf32>
    tpu.vector_store %arg9[%swap3A_531, %swap3A_532], %dot_general3A_530 {strides = array<i32>} : memref<256x1024xf32, #tpu.memory_space<vmem>>, vector<256x1024xf32>,
    return
  }
  func.func @transform_0(%arg0: i32) -> (i32, i32) {
    %c0_i32 = arith.constant 0 : i32
    %c0_i32_0 = arith.constant 0 : i32
    return %arg0, %c0_i32 : i32, i32
  }
  func.func @transform_1(%arg0: i32) -> (i32, i32) {
    %c0_i32 = arith.constant 0 : i32
    %c0_i32_0 = arith.constant 0 : i32
    %c0_i32_1 = arith.constant 0 : i32
    return %c0_i32, %c0_i32_0 : i32, i32
  }
  func.func @transform_2(%arg0: i32) -> (i32, i32) {
    %c0_i32 = arith.constant 0 : i32
    %c0_i32_0 = arith.constant 0 : i32
    %c0_i32_1 = arith.constant 0 : i32
    return %c0_i32, %c0_i32_0 : i32, i32
  }
  func.func @transform_3(%arg0: i32) -> (i32, i32) {
    %c0_i32 = arith.constant 0 : i32
    %c0_i32_0 = arith.constant 0 : i32
    %c0_i32_1 = arith.constant 0 : i32
    return %c0_i32, %c0_i32_0 : i32, i32
  }
  func.func @transform_4(%arg0: i32) -> (i32, i32) {
    %c0_i32 = arith.constant 0 : i32
    %c0_i32_0 = arith.constant 0 : i32
    %c0_i32_1 = arith.constant 0 : i32
    return %c0_i32, %c0_i32_0 : i32, i32
  }
  func.func @transform_5(%arg0: i32) -> (i32, i32) {
    %c0_i32 = arith.constant 0 : i32
    %c0_i32_0 = arith.constant 0 : i32
    %c0_i32_1 = arith.constant 0 : i32
    return %c0_i32, %c0_i32_0 : i32, i32
  }
  func.func @transform_6(%arg0: i32) -> (i32, i32) {
    %c0_i32 = arith.constant 0 : i32
    %c0_i32_0 = arith.constant 0 : i32
    return %arg0, %c0_i32 : i32, i32
  }
  func.func @transform_7(%arg0: i32) -> (i32, i32) {
    %c0_i32 = arith.constant 0 : i32
    %c0_i32_0 = arith.constant 0 : i32
    return %arg0, %c0_i32 : i32, i32
  }
  func.func @transform_8(%arg0: i32) -> (i32, i32) {
    %c0_i32 = arith.constant 0 : i32
    %c0_i32_0 = arith.constant 0 : i32
    return %arg0, %c0_i32 : i32, i32
  }
}

module attributes {stable_mosaic.version = 14 : i64} {
  func.func @_gmm_body(%arg0: i32, %arg1: memref<128xi32, #tpu.memory_space<smem>>, %arg2: memref<1xi32, #tpu.memory_space<smem>>, %arg3: memref<256x1024xf32, #tpu.memory_space<vmem>>, %arg4: memref<1x1024x512xf32, #tpu.memory_space<vmem>>, %arg5: memref<1x1024x512xf32, #tpu.memory_space<vmem>>, %arg6: memref<1x512x1024xf32, #tpu.memory_space<vmem>>, %arg7: memref<256x1024xf32, #tpu.memory_space<vmem>>) attributes {dimension_semantics = [#tpu.dimension_semantics<arbitrary>], iteration_bounds = array<i64: 128>, scalar_prefetch = 2 : i64, scratch_operands = 0 : i64, tpu.core_type = #tpu.core_type<tc>, window_params = [{transform_indices = @transform_0, window_bounds = array<i64: 256, 1024>}, {transform_indices = @transform_1, window_bounds = array<i64: 1, 1024, 512>}, {transform_indices = @transform_2, window_bounds = array<i64: 1, 1024, 512>}, {transform_indices = @transform_3, window_bounds = array<i64: 1, 512, 1024>}, {transform_indices = @transform_4, window_bounds = array<i64: 256, 1024>}]} {
    %get3A = arith.constant 0 : index
    %get3A_0 = memref.load %arg2[%get3A] : memref<1xi32, #tpu.memory_space<smem>>
    %lt3A = arith.cmpi slt, %arg0, %get3A_0 : i32
    %convert_element_type3A = arith.extui %lt3A : i1 to i32
    %cond3A = arith.constant 0 : i32
    %cond3A_1 = arith.cmpi ne, %convert_element_type3A, %cond3A : i32
    scf.if %cond3A_1 {
      %get3A_2 = arith.constant 0 : index
      %get3A_3 = arith.constant 0 : index
      %get3A_4 = vector.load %arg3[%get3A_2, %get3A_3] : memref<256x1024xf32, #tpu.memory_space<vmem>>, vector<256x1024xf32>
      %convert_element_type3A_5 = arith.truncf %get3A_4 : vector<256x1024xf32> to vector<256x1024xbf16>
      %get3A_6 = arith.constant 0 : index
      %get3A_7 = arith.constant 0 : index
      %get3A_8 = arith.constant 0 : index
      %get3A_9 = vector.load %arg4[%get3A_6, %get3A_7, %get3A_8] : memref<1x1024x512xf32, #tpu.memory_space<vmem>>, vector<1x1024x512xf32>
      %get3A_10 = vector.shape_cast %get3A_9 : vector<1x1024x512xf32> to vector<1024x512xf32>
      %convert_element_type3A_11 = arith.truncf %get3A_10 : vector<1024x512xf32> to vector<1024x512xbf16>
      %get3A_12 = arith.constant 0 : index
      %get3A_13 = arith.constant 0 : index
      %get3A_14 = arith.constant 0 : index
      %get3A_15 = vector.load %arg5[%get3A_12, %get3A_13, %get3A_14] : memref<1x1024x512xf32, #tpu.memory_space<vmem>>, vector<1x1024x512xf32>
      %get3A_16 = vector.shape_cast %get3A_15 : vector<1x1024x512xf32> to vector<1024x512xf32>
      %convert_element_type3A_17 = arith.truncf %get3A_16 : vector<1024x512xf32> to vector<1024x512xbf16>
      %get3A_18 = arith.constant 0 : index
      %get3A_19 = arith.constant 0 : index
      %get3A_20 = arith.constant 0 : index
      %get3A_21 = vector.load %arg6[%get3A_18, %get3A_19, %get3A_20] : memref<1x512x1024xf32, #tpu.memory_space<vmem>>, vector<1x512x1024xf32>
      %get3A_22 = vector.shape_cast %get3A_21 : vector<1x512x1024xf32> to vector<512x1024xf32>
      %convert_element_type3A_23 = arith.truncf %get3A_22 : vector<512x1024xf32> to vector<512x1024xbf16>
      %dot_general3A = arith.constant dense<0.000000e+00> : vector<256x512xf32>
      %dot_general3A_24 = tpu.matmul %convert_element_type3A_5, %convert_element_type3A_11, %dot_general3A {dimension_numbers = #tpu.dot_dimension_numbers<[1], [0], [0], [1], [0, 0, 1, 1], [], []>, transpose_lhs_hint = false} : vector<256x1024xbf16>, vector<1024x512xbf16>, vector<256x512xf32> -> vector<256x512xf32>
      %dot_general3A_25 = arith.constant dense<0.000000e+00> : vector<256x512xf32>
      %dot_general3A_26 = tpu.matmul %convert_element_type3A_5, %convert_element_type3A_17, %dot_general3A_25 {dimension_numbers = #tpu.dot_dimension_numbers<[1], [0], [0], [1], [0, 0, 1, 1], [], []>, transpose_lhs_hint = false} : vector<256x1024xbf16>, vector<1024x512xbf16>, vector<256x512xf32> -> vector<256x512xf32>
      %logistic3A = arith.negf %dot_general3A_24 : vector<256x512xf32>
      %logistic3A_27 = math.exp %logistic3A : vector<256x512xf32>
      %logistic3A_28 = arith.constant 1.000000e+00 : f32
      %logistic3A_29 = vector.broadcast %logistic3A_28 : f32 to vector<256x512xf32>
      %logistic3A_30 = arith.addf %logistic3A_29, %logistic3A_27 : vector<256x512xf32>
      %logistic3A_31 = arith.divf %logistic3A_29, %logistic3A_30 : vector<256x512xf32>
      %mul3A = arith.mulf %dot_general3A_24, %logistic3A_31 : vector<256x512xf32>
      %mul3A_32 = arith.mulf %mul3A, %dot_general3A_26 : vector<256x512xf32>
      %convert_element_type3A_33 = arith.truncf %mul3A_32 : vector<256x512xf32> to vector<256x512xbf16>
      %dot_general3A_34 = arith.constant dense<0.000000e+00> : vector<256x1024xf32>
      %dot_general3A_35 = tpu.matmul %convert_element_type3A_33, %convert_element_type3A_23, %dot_general3A_34 {dimension_numbers = #tpu.dot_dimension_numbers<[1], [0], [0], [1], [0, 0, 1, 1], [], []>, transpose_lhs_hint = false} : vector<256x512xbf16>, vector<512x1024xbf16>, vector<256x1024xf32> -> vector<256x1024xf32>
      %swap3A = arith.constant 0 : index
      %swap3A_36 = arith.constant 0 : index
      %swap3A_37 = vector.load %arg7[%swap3A, %swap3A_36] : memref<256x1024xf32, #tpu.memory_space<vmem>>, vector<256x1024xf32>
      tpu.vector_store %arg7[%swap3A, %swap3A_36], %dot_general3A_35 {strides = array<i32>} : memref<256x1024xf32, #tpu.memory_space<vmem>>, vector<256x1024xf32>,
    } else {
    }
    return
  }
  func.func @transform_0(%arg0: i32, %arg1: memref<128xi32, #tpu.memory_space<smem>>, %arg2: memref<1xi32, #tpu.memory_space<smem>>) -> (i32, i32) {
    %c0_i32 = arith.constant 0 : i32
    %c0_i32_0 = arith.constant 0 : i32
    return %arg0, %c0_i32 : i32, i32
  }
  func.func @transform_1(%arg0: i32, %arg1: memref<128xi32, #tpu.memory_space<smem>>, %arg2: memref<1xi32, #tpu.memory_space<smem>>) -> (i32, i32, i32) {
    %get3A = arith.index_cast %arg0 : i32 to index
    %get3A_0 = memref.load %arg1[%get3A] : memref<128xi32, #tpu.memory_space<smem>>
    %c0_i32 = arith.constant 0 : i32
    %c0_i32_1 = arith.constant 0 : i32
    %c0_i32_2 = arith.constant 0 : i32
    return %get3A_0, %c0_i32, %c0_i32_1 : i32, i32, i32
  }
  func.func @transform_2(%arg0: i32, %arg1: memref<128xi32, #tpu.memory_space<smem>>, %arg2: memref<1xi32, #tpu.memory_space<smem>>) -> (i32, i32, i32) {
    %get3A = arith.index_cast %arg0 : i32 to index
    %get3A_0 = memref.load %arg1[%get3A] : memref<128xi32, #tpu.memory_space<smem>>
    %c0_i32 = arith.constant 0 : i32
    %c0_i32_1 = arith.constant 0 : i32
    %c0_i32_2 = arith.constant 0 : i32
    return %get3A_0, %c0_i32, %c0_i32_1 : i32, i32, i32
  }
  func.func @transform_3(%arg0: i32, %arg1: memref<128xi32, #tpu.memory_space<smem>>, %arg2: memref<1xi32, #tpu.memory_space<smem>>) -> (i32, i32, i32) {
    %get3A = arith.index_cast %arg0 : i32 to index
    %get3A_0 = memref.load %arg1[%get3A] : memref<128xi32, #tpu.memory_space<smem>>
    %c0_i32 = arith.constant 0 : i32
    %c0_i32_1 = arith.constant 0 : i32
    %c0_i32_2 = arith.constant 0 : i32
    return %get3A_0, %c0_i32, %c0_i32_1 : i32, i32, i32
  }
  func.func @transform_4(%arg0: i32, %arg1: memref<128xi32, #tpu.memory_space<smem>>, %arg2: memref<1xi32, #tpu.memory_space<smem>>) -> (i32, i32) {
    %c0_i32 = arith.constant 0 : i32
    %c0_i32_0 = arith.constant 0 : i32
    return %arg0, %c0_i32 : i32, i32
  }
}

</mosaic_0001>

<sc_bundles>
// kernel: gather_offload_async_start
scs
__scs_entry_jumppad:
0x0: {  	(pc) =	sbr.rel $0x88, $3  }
0x1: {  	(tag) =	ssettag $0x0;
	lr =	simm.s32 $0x1  }
0x2: {  	[smem:$0x3F98] =	sst lr;
	_ =	strace $0xD0000000  }
0x3: {  	_ = 	snop  }
0x4: {  	_ = 	snop  }
0x5: {  	_ = 	snop  }
0x6: {  	_ = 	snop  }
0x7: {  	_ = 	snop  }
__scs_overlays_trampoline_lowered:
0x8: {  	[smem:$0x3FA7] =	sst s0  }
0x9: {  	[smem:$0x3FA8] =	sst s1  }
0xa: {  	[smem:$0x3FA9] =	sst s2  }
0xb: {  	[smem:$0x3FAA] =	sst s3  }
0xc: {  	[smem:$0x3FAB] =	sst s4  }
0xd: {  	[smem:$0x3FAC] =	sst s5  }
0xe: {  	[smem:$0x3FAD] =	sst s6  }
0xf: {  	[smem:$0x3FAE] =	sst s7  }
0x10: {  	[smem:$0x3FAF] =	sst s8  }
0x11: {  	[smem:$0x3FB0] =	sst s9;
	s0 =	simm.s32 @!p0 $0x0  }
0x12: {  	s1 =	sld [smem:$0x3F96];
	s0 =	simm.s32 @p0 $0x1  }
0x13: {  	[smem:$0x3FB1] =	sst s0;
	s0 =	simm.s32 @!p1 $0x0  }
0x14: {  	s2 =	sld [smem:$0x3F95];
	s0 =	simm.s32 @p1 $0x1  }
0x15: {  	[smem:$0x3FB2] =	sst s0;
	s0 =	simm.s32 @!p2 $0x0  }
0x16: {  	s3 =	sld [smem:$0x3FDB];
	s0 =	simm.s32 @p2 $0x1  }
0x17: {  	s4 =	simm.s32 $0x1BF5;
	[smem:$0x3FB4] =	sst s0  }
0x18: {  	s0 =	sld [smem:$0x3F97];
	_ =	swait.ge [sflag:s4], $0x0  }
0x19: {  	s7 =	sld [smem:$0x3F98]  }
0x1a: {  	s8 =	sadd.s32 $0xFFFFE003, lr  }
0x1b: {  	s9 =	sadd.s32 $0xFFFFFEF7, lr;
	s5 =	simm.s32 $0xFFFFFFFF;
	p2 =	slt.u32 s8, $0xFFFFF086  }
0x1c: {  	p1 =	slt.u32 s9, $0xF7A;
	s5 =	simm.s32 @!p2 $0x0  }
0x1d: {  	s5 =	simm.s32 @p1 $0x1;
	p0 =	seq.s32 s7, s2  }
0x1e: {  	s7 =	smul.u32 @!p0 $0xF7A, s2;
	p2 =	seq.s32 @!p0 s5, $0x0  }
0x1f: {  	s9 =	smul.u32 $0xF7A, s1;
	s8 =	simm.s32 @!p0 $0x1BF5;
	p2 =	por !p2, p0  }
0x20: {  	[sflag:s8] =	ssyncset.s32 @!p0 $0xFFFFF086;
	s6 =	sadd.s32 @!p0 s3, s7;
	s7 =	simm.s32 @!p0 $0x108  }
0x21: {  	s3 =	sadd.s32 s3, s9;
	s6 =	sadd.s32 @!p0 $0x88, s6;
	s7 =	simm.s32 @p2 $0x1082  }
0x22: {  	[simem:s7], [sflag:s8] =	dma.local @!p0 [hbm:s6], $0xF7A  }
0x23: {  	s9 =	sor.u32 $0xD0000000, s2;
	s6 =	simm.s32 $0x108;
	_ =	swait.ge @!p0 [sflag:s8], $0x0  }
0x24: {  	s3 =	sadd.s32 $0x88, s3;
	s6 =	simm.s32 @!p1 $0x1082;
	[sflag:s4] =	ssyncset.s32 $0xFFFFF086  }
0x25: {  	[simem:s6], [sflag:s4] =	dma.local [hbm:s3], $0xF7A  }
0x26: {  	[smem:$0x3F98] =	sst s1;
	(tag) =	ssettag s2;
	_ =	strace s9  }
0x27: {  	s1 =	sld [smem:$0x3FA8]  }
0x28: {  	s2 =	sld [smem:$0x3FA9]  }
0x29: {  	s4 =	sld [smem:$0x3FAB]  }
0x2a: {  	p0 =	seq.s32 s5, $0x0;
	s5 =	sld [smem:$0x3FAC]  }
0x2b: {  	s6 =	sld [smem:$0x3FAD]  }
0x2c: {  	s7 =	sld [smem:$0x3FAE]  }
0x2d: {  	s3 =	simm.s32 $0x108;
	s8 =	sld [smem:$0x3FAF]  }
0x2e: {  	s3 =	simm.s32 @!p0 $0x1082;
	s9 =	sld [smem:$0x3FB0]  }
0x2f: {  	lr =	sadd.s32 s0, s3;
	s0 =	sld [smem:$0x3FA7]  }
0x30: {  	s3 =	sld [smem:$0x3FAA]  }
0x31: {  	[smem:$0x3FB3] =	sst s10  }
0x32: {  	s10 =	sld [smem:$0x3FB1];
	_ =	sdelay $0x3  }
0x33: {  	p0 =	seq.s32 s10, $0x1;
	s10 =	sld [smem:$0x3FB3];
	_ =	sdelay $0x3  }
0x34: {  	[smem:$0x3FB3] =	sst s10  }
0x35: {  	s10 =	sld [smem:$0x3FB2];
	_ =	sdelay $0x3  }
0x36: {  	p1 =	seq.s32 s10, $0x1;
	s10 =	sld [smem:$0x3FB3];
	_ =	sdelay $0x3  }
0x37: {  	[smem:$0x3FB3] =	sst s10  }
0x38: {  	s10 =	sld [smem:$0x3FB4]  }
0x39: {  	_ = 	snop;
	(pc) =	sbr.ind lr, $3  }
0x3a: {  	_ = 	snop  }
0x3b: {  	_ = 	snop  }
0x3c: {  	p2 =	seq.s32 s10, $0x1;
	s10 =	sld [smem:$0x3FB3]  }
0x3d: {  	_ =	shalt  }
0x3e: {  	_ =	shalt  }
0x3f: {  	_ =	shalt  }
0x40: {  	_ =	shalt  }
0x41: {  	_ =	shalt  }
0x42: {  	_ =	shalt  }
0x43: {  	_ =	shalt  }
0x44: {  	_ =	shalt  }
0x45: {  	_ =	shalt  }
0x46: {  	_ =	shalt  }
0x47: {  	_ =	shalt  }
0x48: {  	_ =	shalt  }
0x49: {  	_ =	shalt  }
0x4a: {  	_ =	shalt  }
0x4b: {  	_ =	shalt  }
0x4c: {  	_ =	shalt  }
0x4d: {  	_ =	shalt  }
0x4e: {  	_ =	shalt  }
0x4f: {  	_ =	shalt  }
0x50: {  	_ =	shalt  }
0x51: {  	_ =	shalt  }
0x52: {  	_ =	shalt  }
0x53: {  	_ =	shalt  }
0x54: {  	_ =	shalt  }
0x55: {  	_ =	shalt  }
0x56: {  	_ =	shalt  }
0x57: {  	_ =	shalt  }
0x58: {  	_ =	shalt  }
0x59: {  	_ =	shalt  }
0x5a: {  	_ =	shalt  }
0x5b: {  	_ =	shalt  }
0x5c: {  	_ =	shalt  }
0x5d: {  	_ =	shalt  }
0x5e: {  	_ =	shalt  }
0x5f: {  	_ =	shalt  }
0x60: {  	_ =	shalt  }
0x61: {  	_ =	shalt  }
0x62: {  	_ =	shalt  }
0x63: {  	_ =	shalt  }
0x64: {  	_ =	shalt  }
0x65: {  	_ =	shalt  }
0x66: {  	_ =	shalt  }
0x67: {  	_ =	shalt  }
0x68: {  	_ =	shalt  }
0x69: {  	_ =	shalt  }
0x6a: {  	_ =	shalt  }
0x6b: {  	_ =	shalt  }
0x6c: {  	_ =	shalt  }
0x6d: {  	_ =	shalt  }
0x6e: {  	_ =	shalt  }
0x6f: {  	_ =	shalt  }
0x70: {  	_ =	shalt  }
0x71: {  	_ =	shalt  }
0x72: {  	_ =	shalt  }
0x73: {  	_ =	shalt  }
0x74: {  	_ =	shalt  }
0x75: {  	_ =	shalt  }
0x76: {  	_ =	shalt  }
0x77: {  	_ =	shalt  }
0x78: {  	_ =	shalt  }
0x79: {  	_ =	shalt  }
0x7a: {  	_ =	shalt  }
0x7b: {  	_ =	shalt  }
0x7c: {  	_ =	shalt  }
0x7d: {  	_ =	shalt  }
0x7e: {  	_ =	shalt  }
0x7f: {  	_ =	shalt  }
0x80: {  	_ =	shalt  }
0x81: {  	_ =	shalt  }
0x82: {  	_ =	shalt  }
0x83: {  	_ =	shalt  }
0x84: {  	_ =	shalt  }
0x85: {  	_ =	shalt  }
0x86: {  	_ =	shalt  }
0x87: {  	_ =	shalt  }
.Lfunc_end0:
.L_simem_size_0:
called_computation_lowered:
.L_overlay_start_0:
0x88: {  	s2 =	sld [smem:$0x3FD9]  }
0x89: {  	s3 =	sld [smem:$0x3FFE];
	_ =	sdelay $0x1  }
0x8a: {  	s1 =	srdreg.scid  }
0x8b: {  	s0 =	sand.u32 $0x1, s1  }
0x8c: {  	s16 =	sshll.u32 s0, $0xA;
	s2 =	sadd.s32 s3, s2  }
0x8d: {  	s2 =	sadd.s32 s2, s16  }
0x8e: {  	[smem:$0x3FBF] =	sst s2  }
0x8f: {  	_ = 	snop  }
0x90: {  	(tm) =	ssettm $0x1  }
0x91: {  	s17 =	sld [smem:$0x3FFB];
	_ =	sdelay $0x3  }
0x92: {  	_ =	strace s17  }
0x93: {  	s2 =	sld [smem:$0x3FFC];
	_ =	sdelay $0x3  }
0x94: {  	_ =	strace s2  }
0x95: {  	s2 =	sld [smem:$0x3FFD];
	_ =	sdelay $0x3  }
0x96: {  	_ =	strace s2  }
0x97: {  	_ =	strace $0x8FFFFFFF  }
0x98: {  	s18 =	sld [smem:$0x3FDB];
	_ =	sdelay $0x1  }
0x99: {  	s19 =	simm.s32 $_scs_section_size  }
0x9a: {  	s4 =	simm.s32 $_size__tile_overlayer_lowered;
	s5 =	simm.s32 $_tile_overlayer_lowered  }
0x9b: {  	s22 =	simm.s32 $0x1BFF;
	s21 =	sshll.u32 s5, $0x1;
	s2 =	sadd.s32 s19, s18  }
0x9c: {  	s6 =	simm.s32 $0x0;
	s20 =	sshll.u32 s4, $0x1;
	s4 =	sadd.s32 s21, s2  }
0x9d: {  	[timem:s6], [sflag:s22] =	dma.local [hbm:s4], s20  }
0x9e: {  	_ =	swait.ge [sflag:s22], s20  }
0x9f: {  	s3 =	ssub.s32 $0x0, s20;
	[sflag:s22] =	ssyncset.done $0x0  }
0xa0: {  	[sflag:s22] =	ssyncadd.s32 s3;
	_ =	sdelay $0x1  }
0xa1: {  	s23 =	simm.s32 $0x1B8B  }
0xa2: {  	_ =	swait.ge [sflag:s23], $0x1  }
0xa3: {  	[sflag:s23] =	ssyncset.done $0x0  }
0xa4: {  	s25 =	simm.s32 $0x1B8E;
	s24 =	sld [smem:$0x3FFE];
	[sflag:s23] =	ssyncadd.s32 $0xFFFFFFFF  }
0xa5: {  	s26 =	simm.s32 $execute0_lowered;
	[smem:$0x3FD2] =	sst s25  }
0xa6: {  	s4 =	sshll.u32 s26, $0x1;
	_ =	strace $0x80000046;
	[dreg:$0x1] =	wrdreg $0xFFFFFFFF  }
0xa7: {  	s28 =	simm.s32 $_size_execute0_lowered;
	s2 =	sadd.s32 s2, s4;
	[dreg:$0x0] =	wrdreg $0x0  }
0xa8: {  	s4 =	sshll.u32 s28, $0x1;
	[dreg:$0x2] =	wrdreg s2  }
0xa9: {  	[dreg:$0x3] =	wrdreg s4  }
0xaa: {  	[dreg:$0x4] =	wrdreg $0xC0  }
0xab: {  	_ =	task [dreg:s6], $0x5FFFF  }
0xac: {  	[dreg:$0x1] =	wrdreg $0xFFFFFFFF  }
0xad: {  	[dreg:$0x0] =	wrdreg $0x60  }
0xae: {  	[dreg:$0x2] =	wrdreg s24  }
0xaf: {  	[dreg:$0x3] =	wrdreg $0x9  }
0xb0: {  	_ =	task.clear_ibuf [dreg:s6], $0x4FFFF;
	_ =	strace $0x90000046  }
0xb1: {  	s29 =	simm.s32 $0x9;
	_ =	strace $0x80000048  }
0xb2: {  	_ =	swait.ge [sflag:s29], $0x1  }
0xb3: {  	[sflag:s29] =	ssyncadd.s32 $0xFFFFFFFF  }
0xb4: {  	_ =	strace $0x90000048  }
0xb5: {  	_ =	sfence  }
0xb6: {  	s30 =	sld [smem:$0x0];
	_ =	sdelay $0x2  }
0xb7: {  	s31 =	sshll.u32 s1, $0xD;
	s1 =	sshrl.u32 s1, $0x2  }
0xb8: {  	s3 =	sand.u32 $0x4000, s31;
	s1 =	sadd.s32 s1, s30  }
0xb9: {  	s0 =	sor.u32 s3, s0;
	s1 =	sshll.u32 s1, $0x11  }
0xba: {  	s0 =	sor.u32 s1, s0  }
0xbb: {  	s0 =	sadd.s32 $0x8F2B, s0  }
0xbc: {  	[sflag:s0] =	ssyncadd.remote.s32 $0x1  }
0xbd: {  	_ =	sfence.sel $0xFFFF  }
0xbe: {  	[dreg:$0x0] =	wrdreg $0xFFFFFFFF;
	(pc) =	sbr.abs _section_cstart, $3  }
0xbf: {  	[dreg:$0x1] =	wrdreg $0xFFFFFFFF  }
0xc0: {  	_ =	task.clear_ibuf [dreg:s6], $0x2FFFF;
	_ =	strace $0x9FFFFFFF  }
0xc1: {  	(tm) =	ssettm $0x7FFFFFFF  }
tec
execute0_lowered:
.L_overlay_start_1:
0x0: {  	(tag) =	ssettag $0x1  }
0x1: {  	s7 =	rddreg [dreg:$0x0]  }
0x2: {  	s0 =	rddreg [dreg:$0x1];
	_ =	strace $0x80000047  }
0x3: {  	s1 =	srdreg.scid;
	s4 =	simm.s32 $0x1;
	s9 =	simm.s32 $0x3  }
0x4: {  	s11 =	simm.s32 $0x0;
	p0 =	por $0x0, $0x0;
	s5 =	sshll.u32 s1, $0x4  }
.Ltmp0:
0x5: {  	s1 =	stileid.u32;
	s5 =	sand.u32 $0x10, s5;
	(pc) =	sbr.rel .LBB2_1-.Ltmp0, $4  }
0x6: {  	s2 =	sadd.s32 $0x413600, s7;
	s3 =	sadd.s32 $0x12A00, s7;
	s6 =	sor.u32 s1, s5  }
0x7: {  	[sflag:s4] =	ssyncpa.u1 $0x0;
	s5 =	simm.s32 $0x2;
	s6 =	sshll.u32 s6, $0x9  }
0x8: {  	s7 =	sadd.s32 $0x13200, s7;
	[sflag:s5] =	ssyncpa.u1 $0x0;
	s8 =	sadd.s32 $0x200, s6  }
0x9: {  	vm0 =	vmmov $0xff;
	vm1 =	vcmask $0x3F20;
	[sflag:s9] =	ssyncpa.u1 $0x0;
	s10 =	smov.u32 s6;
	s9 =	simm.s32 $0x0  }
.LBB2_9:
0xa: {  	p1 =	slt.u32 s9, $0x2;
	s11 =	sadd.s32 $0x20, s10  }
0xb: {  	s13 =	smov.u32 s6;
	s9 =	sadd.s32 $0x1, s9;
	p2 =	slt.s32 s11, s8  }
0xc: {  	s13 =	smov.u32 @p2 s11;
	p2 =	sne.s32 s9, $0x12  }
.Ltmp1:
0xd: {  	_ = 	snop;
	(pc) =	sbr.rel @!p2 .LBB2_10-.Ltmp1, $4  }
0xe: {  	s12 =	simm.s32 @!p1 $0x3  }
0xf: {  	_ =	swait.ge @!p1 [sflag:s12], $0x8000  }
0x10: {  	p0 =	por !p0, !p0;
	[sflag:s12] =	ssyncset.done @!p1 $0x0  }
0x11: {  	s11 =	smov.u32 s10;
	s10 =	smov.u32 s13;
	[sflag:s12] =	ssyncadd.s32 @!p1 $0xFFFF8000  }
.LBB2_1:
0x12: {  	p1 =	sgt.u32 s9, $0xF  }
0x13: {  	s12 =	sxor.u32 @!p1 $0xFFFFFFFF, s9  }
0x14: {  	s13 =	sshrl.u32 @!p1 s10, $0x3;
	s12 =	sshll.u32 @!p1 s12, $0x5  }
0x15: {  	s14 =	sand.u32 @!p1 $0x7, s10;
	s13 =	sadd.s32 @!p1 s3, s13;
	s12 =	sand.u32 @!p1 $0x20, s12  }
0x16: {  	[tilespmem:s12], [sflag:$0x2] =	stream.linear.gather @!p1 [hbm4b:s13+s14], $0x20, $0x38;
	[tilespmem:$0x10040] =	vst v63  }
0x17: {  	p1 =	seq.s32 s9, $0x0  }
0x18: {  	p2 =	seq.s32 @!p1 s9, $0x11  }
0x19: {  	p1 =	por p1, p2  }
.Ltmp2:
0x1a: {  	_ = 	snop;
	(pc) =	sbr.rel @p1 .LBB2_9-.Ltmp2, $1  }
0x1b: {  	_ =	sdelay $0x3  }
0x1c: {  	s12 =	simm.s32 $0x1  }
0x1d: {  	_ =	swait.ge [sflag:s5], $0x20;
	s13 =	sand.u32 $0x1, s9;
	s12 =	simm.s32 @!p0 $0x0  }
0x1e: {  	s15 =	simm.s32 $0x0;
	p2 =	por $0x1, $0x1;
	s12 =	sshll.u32 s12, $0x11  }
0x1f: {  	[sflag:s5] =	ssyncset.done $0x0;
	s13 =	sshll.u32 s13, $0x5;
	s14 =	sshrl.u32 s12, $0x2  }
0x20: {  	[sflag:s5] =	ssyncadd.s32 $0xFFFFFFE0;
	s12 =	sor.u32 $0x40, s14;
	s14 =	sadd.s32 $0x40, s14  }
.LBB2_3:
0x21: {  	s16 =	sshll.u32 s15, $0x4  }
0x22: {  	s16 =	sand.u32 $0x3FFFFFF0, s16  }
0x23: {  	s16 =	sadd.s32 s16, s13  }
0x24: {  	v0 =	vld.msk [tilespmem:s16+$0x0 ss:$0x1], $0xffff;
	_ =	sdelay $0x4  }
0x25: {  	vm2 =	vgt.s32 v0, $0x0  }
0x26: {  	v0 =	vnsel vm2, $0x0, v0  }
0x27: {  	v0 =	vmin.u32 v0, $0x7FFF  }
0x28: {  	v1 =	vshll.u32 v0, $0x7;
	v0 =	vshll.u32 v0, $0x4  }
0x29: {  	v1 =	vand.u32 $0x3FFC00, v1;
	v0 =	vand.u32 $0x70, v0  }
0x2a: {  	v0 =	vor.u32 v0, v1  }
0x2b: {  	s31 =	sshll.u32 s15, $0x10  }
0x2c: {  	s15 =	sshra.s32 s31, $0x2  }
0x2d: {  	s15 =	sadd.s32 s15, s14  }
0x2e: {  	s17 =	sadd.s32 $0x0, s15  }
0x2f: {  	[tilespmem:s17], [sflag:$0x1] =	stream.indirect_vreg.gather [hbm:s2], $0x80, v0, vm0, $0x38;
	[tilespmem:$0x10040] =	vst v63  }
0x30: {  	p1 =	por p2, p2;
	s16 =	simm.s32 $0x1000;
	v1 =	vadd.s32 $0x80, v0;
	s17 =	sadd.s32 $0x2000, s17  }
.LBB2_4:
0x31: {  	[tilespmem:s17], [sflag:$0x1] =	stream.indirect_vreg.gather [hbm:s2], $0x80, v0, vm1, $0x38;
	[tilespmem:$0x10040] =	vst v63  }
0x32: {  	v0 =	vmov v1;
	s17 =	smov.u32 s16;
	p2 =	sne.s32 s16, $0x7000  }
.Ltmp3:
0x33: {  	s16 =	sadd.s32 $0x1000, s16;
	(pc) =	sbr.rel @p2 .LBB2_4-.Ltmp3, $4  }
0x34: {  	s17 =	sshra.s32 s17, $0x2  }
0x35: {  	s17 =	sadd.s32 s17, s15  }
0x36: {  	[tilespmem:s17], [sflag:$0x1] =	stream.indirect_vreg.gather [hbm:s2], $0x80, v1, vm0, $0x38;
	[tilespmem:$0x10040] =	vst v63  }
0x37: {  	s17 =	sadd.s32 $0x2000, s17;
	v1 =	vadd.s32 $0x80, v1  }
0x38: {  	_ = 	snop  }
.Ltmp4:
0x39: {  	_ = 	snop;
	(pc) =	sbr.rel @p1 .LBB2_3-.Ltmp4, $3  }
0x3a: {  	_ =	sdelay $0x1  }
0x3b: {  	[tilespmem:s17], [sflag:$0x1] =	stream.indirect_vreg.gather [hbm:s2], $0x80, v0, vm1, $0x38;
	[tilespmem:$0x10040] =	vst v63  }
0x3c: {  	s15 =	simm.s32 $0x1;
	p2 =	por $0x0, $0x0  }
0x3d: {  	s13 =	sshll.u32 s11, $0x7  }
0x3e: {  	s31 =	sshll.u32 s11, $0x4;
	s13 =	sand.u32 $0xFFFFFC00, s13  }
0x3f: {  	_ =	swait.ge [sflag:s4], $0x8000;
	s11 =	sand.u32 $0x70, s31;
	s13 =	sadd.s32 s13, s7  }
0x40: {  	s14 =	sadd.s32 $0x2000, s12;
	[sflag:s4] =	ssyncset.done $0x0;
	s11 =	sadd.s32 s11, s13  }
0x41: {  	[sflag:s4] =	ssyncadd.s32 $0xFFFF8000;
	s13 =	simm.s32 $0x400;
	s15 =	sadd.s32 $0x0, s11  }
.LBB2_7:
0x42: {  	[hbm:s15] =	stream.linear.scatter [tilespmem:s12], [sflag:$0x3], $0x2000, $0x38;
	[tilespmem:$0x10040] =	vst v63  }
0x43: {  	s15 =	smov.u32 s13;
	s12 =	smov.u32 s14;
	p1 =	sne.s32 s13, $0xC00  }
.Ltmp5:
0x44: {  	s13 =	sadd.s32 $0x400, s13;
	(pc) =	sbr.rel @p1 .LBB2_7-.Ltmp5, $2  }
0x45: {  	_ =	sdelay $0x2  }
0x46: {  	s14 =	sadd.s32 $0x2000, s14;
	s15 =	sadd.s32 s15, s11  }
.Ltmp6:
0x47: {  	(pc) =	sbr.rel .LBB2_9-.Ltmp6, $2  }
0x48: {  	_ =	sdelay $0x2  }
0x49: {  	[hbm:s15] =	stream.linear.scatter [tilespmem:s12], [sflag:$0x3], $0x2000, $0x38;
	[tilespmem:$0x10040] =	vst v63  }
.LBB2_10:
0x4a: {  	_ =	sfence.sel $0x180000  }
0x4b: {  	s2 =	simm.s32 $0x2;
	[bflag:$0x0] =	sbarrier.arrive $0xFFFF  }
0x4c: {  	s30 =	simm.s32 $0x3;
	[sflag:s2] =	ssyncpa.u1 $0x1  }
0x4d: {  	s31 =	simm.s32 $0x1;
	[sflag:s30] =	ssyncpa.u1 $0x1  }
0x4e: {  	[sflag:s31] =	ssyncpa.u1 $0x1  }
0x4f: {  	p0 =	sne.s32 s1, $0x0;
	_ =	strace $0x90000047  }
0x50: {  	s0 =	sadd.s32 @!p0 $0x100000, s0;
	[bflag:$0x2] =	sbarrier.arrive $0xFFFF  }
0x51: {  	[sflag:s0] =	ssyncadd.tile.s32 @!p0 $0x1;
	_ =	shalt  }
.Lfunc_end2:
_tile_overlayer_lowered:
.L_overlay_start_2:
0x52: {  	(tag) =	ssettag $0x2  }
0x53: {  	s0 =	rddreg [dreg:$0x0];
	s2 =	stileid.u32  }
0x54: {  	s1 =	rddreg [dreg:$0x1];
	p0 =	sne.s32 s2, $0x0  }
0x55: {  	s3 =	rddreg [dreg:$0x2];
	[bflag:$0x3] =	sbarrier.arrive $0xFFFF;
	s2 =	simm.s32 @!p0 $0x1C01  }
0x56: {  	[timem:s3], [sflag:s2] =	dma.local @!p0 [hbm:s0], s1  }
0x57: {  	s0 =	simm.s32 @!p0 $0x1  }
0x58: {  	_ =	swait.ge @!p0 [sflag:s0], s1  }
0x59: {  	s1 =	ssub.s32 @!p0 $0x0, s1;
	[sflag:s0] =	ssyncset.done @!p0 $0x0  }
0x5a: {  	[sflag:s0] =	ssyncadd.s32 @!p0 s1  }
0x5b: {  	[bflag:$0x3] =	sbarrier.arrive $0xFFFF  }
0x5c: {  	_ =	shalt  }

</sc_bundles>
